<compile_context>
chip_gen: v7x
topology: tpu7x:2x2x1
jax: 0.10.2.dev20260603
libtpu: 0.0.44.dev20260713+nightly
codegen_flags: <defaults>
</compile_context>

<pallas_src>
import functools

import jax
import jax.numpy as jnp
from jax import lax
from jax.experimental import pallas as pl
from jax.experimental.pallas import tpu as pltpu
from jax.experimental.pallas import tpu_sc as plsc

_K = 32
_NF = 100
_TW = _K + 1


def _sc_gather_t(ut_t, it_t, u_idx, i_idx):
    info = plsc.get_sparse_core_info()
    nc, ns = info.num_cores, info.num_subcores
    nw = nc * ns
    b = u_idx.shape[0]
    bpw = b // nw
    tw = ut_t.shape[0]
    mesh = plsc.VectorSubcoreMesh(core_axis_name="c", subcore_axis_name="s")
    ring = 8

    @functools.partial(
        pl.kernel,
        mesh=mesh,
        out_type=[jax.ShapeDtypeStruct((tw, b), jnp.float32),
                  jax.ShapeDtypeStruct((tw, b), jnp.float32)],
        scratch_types=[
            pltpu.VMEM((bpw + 16,), jnp.int32),
            pltpu.VMEM((bpw + 16,), jnp.int32),
            pltpu.VMEM((tw, bpw), jnp.float32),
            pltpu.VMEM((tw, bpw), jnp.float32),
        ]
        + [pltpu.VMEM((tw, 128), jnp.float32) for _ in range(2 * ring)]
        + [pltpu.SemaphoreType.DMA for _ in range(2 * ring)],
        compiler_params=pltpu.CompilerParams(needs_layout_passes=False),
    )
    def gather_kernel(ut_hbm, it_hbm, ui_hbm, ii_hbm, uo_hbm, io_hbm,
                      uidx_v, iidx_v, ucols_v, icols_v, *slots_sems):
        slots = slots_sems[:2 * ring]
        sems = slots_sems[2 * ring:]
        wid = lax.axis_index("s") * nc + lax.axis_index("c")
        base = wid * bpw
        pltpu.sync_copy(ui_hbm.at[pl.ds(base, bpw)], uidx_v.at[pl.ds(0, bpw)])
        pltpu.sync_copy(ii_hbm.at[pl.ds(base, bpw)], iidx_v.at[pl.ds(0, bpw)])

        rows0 = lax.broadcasted_iota(jnp.int32, (16,), 0)
        rows1 = rows0 + 16
        row32 = rows0 * 0 + _K
        lane0 = rows0 == 0

        def issue(t_hbm, v, sl):
            start = pl.multiple_of((v >> 7) << 7, 128)
            pltpu.async_copy(t_hbm.at[:, pl.ds(start, 128)], slots[sl],
                             sems[sl])

        uvec0 = uidx_v[pl.ds(0, 16)]
        ivec0 = iidx_v[pl.ds(0, 16)]
        for k in range(ring):
            issue(ut_hbm, uvec0[k], k)
            issue(it_hbm, ivec0[k], ring + k)

        def extract(t_hbm, cols_v, vec, sl, h, k):
            j = h * ring + k
            v = vec[k]
            pltpu.make_async_copy(t_hbm.at[:, pl.ds(0, 128)], slots[sl],
                                  sems[sl]).wait()
            offv = rows0 * 0 + (v & 127)
            c0 = plsc.load_gather(slots[sl], [rows0, offv])
            c1 = plsc.load_gather(slots[sl], [rows1, offv])
            c2 = plsc.load_gather(slots[sl], [row32, offv])
            jv = rows0 * 0 + j
            plsc.store_scatter(cols_v, [rows0, jv], c0)
            plsc.store_scatter(cols_v, [rows1, jv], c1)
            plsc.store_scatter(cols_v, [row32, jv], c2, mask=lane0)

            @pl.when(h < bpw // ring - 1)
            def _():
                issue(t_hbm, vec[k + ring], sl)

        def half_group(h, carry):
            uvec = uidx_v[pl.ds(h * ring, 16)]
            ivec = iidx_v[pl.ds(h * ring, 16)]
            for k in range(ring):
                extract(ut_hbm, ucols_v, uvec, k, h, k)
                extract(it_hbm, icols_v, ivec, ring + k, h, k)
            return carry

        lax.fori_loop(0, bpw // ring, half_group, 0)
        pltpu.sync_copy(ucols_v, uo_hbm.at[:, pl.ds(base, bpw)])
        pltpu.sync_copy(icols_v, io_hbm.at[:, pl.ds(base, bpw)])

    return gather_kernel(ut_t, it_t, u_idx, i_idx)


def _fm_body_t(u_ref, i_ref, f_ref, vft_ref, vf_ref, wf_ref,
               v_ref, w_ref, s_ref):
    ut = u_ref[...]
    it = i_ref[...]
    ft = f_ref[...]
    uv = ut[:_K, :]
    iv = it[:_K, :]
    uw = ut[_K:_TW, :]
    iw = it[_K:_TW, :]
    vft = vft_ref[...]
    p = lax.Precision.HIGHEST
    s_sum = uv + iv + jnp.dot(vft, ft, precision=p,
                              preferred_element_type=jnp.float32)
    s_sq = (uv * uv + iv * iv
            + jnp.dot(vft * vft, ft * ft, precision=p,
                      preferred_element_type=jnp.float32))
    w_feat = wf_ref[...] * ft
    w_ref[0:1, :] = uw
    w_ref[1:2, :] = iw
    w_ref[2:, :] = w_feat
    s_val = (uw[0, :] + iw[0, :] + jnp.sum(w_feat, axis=0)
             + 0.5 * jnp.sum(s_sum * s_sum - s_sq, axis=0))
    s_ref[...] = s_val[None, :]
    v_ref[0:1, :, :] = uv[None, :, :]
    v_ref[1:2, :, :] = iv[None, :, :]
    v_ref[2:, :, :] = vf_ref[...][:, :, None] * ft[:, None, :]


def kernel(u, i, feats, user_table, item_table, feat_table, w0):
    b = feats.shape[0]
    u_idx = u.reshape(b).astype(jnp.int32)
    i_idx = i.reshape(b).astype(jnp.int32)
    ut_t, it_t = _sc_gather_t(user_table.T, item_table.T, u_idx, i_idx)
    f_t = feats.T
    vf = feat_table[:, :_K]
    vft = vf.T
    wf = feat_table[:, _K:_TW]
    bb = 512
    vt, wt, s2 = pl.pallas_call(
        _fm_body_t,
        grid=(b // bb,),
        in_specs=[
            pl.BlockSpec((_TW, bb), lambda g: (0, g)),
            pl.BlockSpec((_TW, bb), lambda g: (0, g)),
            pl.BlockSpec((_NF, bb), lambda g: (0, g)),
            pl.BlockSpec((_K, _NF), lambda g: (0, 0)),
            pl.BlockSpec((_NF, _K), lambda g: (0, 0)),
            pl.BlockSpec((_NF, 1), lambda g: (0, 0)),
        ],
        out_specs=[
            pl.BlockSpec((2 + _NF, _K, bb), lambda g: (0, 0, g)),
            pl.BlockSpec((2 + _NF, bb), lambda g: (0, g)),
            pl.BlockSpec((1, bb), lambda g: (0, g)),
        ],
        out_shape=[
            jax.ShapeDtypeStruct((2 + _NF, _K, b), jnp.float32),
            jax.ShapeDtypeStruct((2 + _NF, b), jnp.float32),
            jax.ShapeDtypeStruct((1, b), jnp.float32),
        ],
        compiler_params=pltpu.CompilerParams(
            dimension_semantics=("parallel",)),
    )(ut_t, it_t, f_t, vft, vf, wf)
    s = s2.reshape(b) + w0
    w = wt.T
    v = vt.transpose(2, 0, 1)
    return (s, w, v)

# --- scband reference (transcript-rebuilt; emitter-appended) ---
"""Pipeline reference for scband-factorization-machine-40114994544881 (READ-ONLY COPY).

The authoritative reference and input builder live on the scoring server;
editing this copy changes nothing except your own understanding.
"""

import jax, jax.numpy as jnp
import numpy as np

B = 16384
N_USERS = 1000000
N_ITEMS = 1000000
N_FEAT = 100
K = 32
INIT = 0.001


def setup_inputs(seed: int = 0) -> dict:
    key = jax.random.key(seed)
    k_u, k_i, k_f, k_ut, k_it, k_ft = jax.random.split(key, 6)
    u = jax.random.randint(k_u, (B, 1), 0, N_USERS)
    i = jax.random.randint(k_i, (B, 1), 0, N_ITEMS)
    feats = jax.random.uniform(k_f, (B, N_FEAT), dtype=jnp.float32)
    # learned parameters sized per init_kwargs (k=32 -> tables have k+1 columns)
    user_table = jax.random.normal(k_ut, (N_USERS, K + 1), dtype=jnp.float32) * INIT
    item_table = jax.random.normal(k_it, (N_ITEMS, K + 1), dtype=jnp.float32) * INIT
    feat_table = jax.random.normal(k_ft, (N_FEAT, K + 1), dtype=jnp.float32) * INIT
    w0 = jnp.zeros((1,), dtype=jnp.float32)
    return {"u": u, "i": i, "feats": feats,
            "user_table": user_table, "item_table": item_table,
            "feat_table": feat_table, "w0": w0}


def reference(u, i, feats, user_table, item_table, feat_table, w0):
    # _retrieve_factors
    user = jnp.take(user_table, u, axis=0)   # [B, 1, K+1]
    item = jnp.take(item_table, i, axis=0)   # [B, 1, K+1]
    # feat embedding is dense (feature_sparse=False): weight[None] * feats[..., None]
    feat = feat_table[None] * feats[..., None]  # [B, N_FEAT, K+1]
    w = jnp.concatenate([user[..., -1], item[..., -1], feat[..., -1]], axis=1)      # [B, 2+N_FEAT]
    v = jnp.concatenate([user[..., :-1], item[..., :-1], feat[..., :-1]], axis=1)   # [B, 2+N_FEAT, K]
    # forward
    w_ = w.sum(axis=1)
    v_ = ((v.sum(axis=1) ** 2) - (v ** 2).sum(axis=1)).sum(axis=-1) * 0.5
    s = w0 + w_ + v_   # [B]
    return (s, w, v)

if __name__ == "__main__":
    import jax
    _d = setup_inputs()
    print(jax.jit(kernel)(*tuple(_d.values())))

</pallas_src>

<mosaic_0001>
#map = affine_map<(d0, d1) -> (0, 0)>
#map1 = affine_map<(d0, d1) -> (0)>
module attributes {stable_mosaic.version = 14 : i64} {
  func.func @gather_kernel(%arg0: i32, %arg1: i32, %arg2: memref<33x1000000xf32, #tpu.memory_space<hbm>>, %arg3: memref<33x1000000xf32, #tpu.memory_space<hbm>>, %arg4: memref<16384xi32, #tpu.memory_space<hbm>>, %arg5: memref<16384xi32, #tpu.memory_space<hbm>>, %arg6: memref<33x16384xf32, #tpu.memory_space<hbm>>, %arg7: memref<33x16384xf32, #tpu.memory_space<hbm>>, %arg8: memref<528xi32, #tpu.memory_space<vmem>>, %arg9: memref<528xi32, #tpu.memory_space<vmem>>, %arg10: memref<33x512xf32, #tpu.memory_space<vmem>>, %arg11: memref<33x512xf32, #tpu.memory_space<vmem>>, %arg12: memref<33x128xf32, #tpu.memory_space<vmem>>, %arg13: memref<33x128xf32, #tpu.memory_space<vmem>>, %arg14: memref<33x128xf32, #tpu.memory_space<vmem>>, %arg15: memref<33x128xf32, #tpu.memory_space<vmem>>, %arg16: memref<33x128xf32, #tpu.memory_space<vmem>>, %arg17: memref<33x128xf32, #tpu.memory_space<vmem>>, %arg18: memref<33x128xf32, #tpu.memory_space<vmem>>, %arg19: memref<33x128xf32, #tpu.memory_space<vmem>>, %arg20: memref<33x128xf32, #tpu.memory_space<vmem>>, %arg21: memref<33x128xf32, #tpu.memory_space<vmem>>, %arg22: memref<33x128xf32, #tpu.memory_space<vmem>>, %arg23: memref<33x128xf32, #tpu.memory_space<vmem>>, %arg24: memref<33x128xf32, #tpu.memory_space<vmem>>, %arg25: memref<33x128xf32, #tpu.memory_space<vmem>>, %arg26: memref<33x128xf32, #tpu.memory_space<vmem>>, %arg27: memref<33x128xf32, #tpu.memory_space<vmem>>, %arg28: memref<!tpu.dma_semaphore, #tpu.memory_space<semaphore_mem>>, %arg29: memref<!tpu.dma_semaphore, #tpu.memory_space<semaphore_mem>>, %arg30: memref<!tpu.dma_semaphore, #tpu.memory_space<semaphore_mem>>, %arg31: memref<!tpu.dma_semaphore, #tpu.memory_space<semaphore_mem>>, %arg32: memref<!tpu.dma_semaphore, #tpu.memory_space<semaphore_mem>>, %arg33: memref<!tpu.dma_semaphore, #tpu.memory_space<semaphore_mem>>, %arg34: memref<!tpu.dma_semaphore, #tpu.memory_space<semaphore_mem>>, %arg35: memref<!tpu.dma_semaphore, #tpu.memory_space<semaphore_mem>>, %arg36: memref<!tpu.dma_semaphore, #tpu.memory_space<semaphore_mem>>, %arg37: memref<!tpu.dma_semaphore, #tpu.memory_space<semaphore_mem>>, %arg38: memref<!tpu.dma_semaphore, #tpu.memory_space<semaphore_mem>>, %arg39: memref<!tpu.dma_semaphore, #tpu.memory_space<semaphore_mem>>, %arg40: memref<!tpu.dma_semaphore, #tpu.memory_space<semaphore_mem>>, %arg41: memref<!tpu.dma_semaphore, #tpu.memory_space<semaphore_mem>>, %arg42: memref<!tpu.dma_semaphore, #tpu.memory_space<semaphore_mem>>, %arg43: memref<!tpu.dma_semaphore, #tpu.memory_space<semaphore_mem>>) attributes {dimension_semantics = [#tpu.dimension_semantics<core_parallel>, #tpu.dimension_semantics<subcore_parallel>], iteration_bounds = array<i64: 2, 16>, scalar_prefetch = 0 : i64, scratch_operands = 36 : i64, tpu.core_type = #tpu.core_type<sc_vector_subcore>, window_params = [{transform_indices = #map}, {transform_indices = #map}, {transform_indices = #map1}, {transform_indices = #map1}, {transform_indices = #map}, {transform_indices = #map}]} {
    %mul3A = arith.constant 2 : i32
    %mul3A_0 = arith.muli %arg1, %mul3A : i32
    %add3A = arith.addi %mul3A_0, %arg0 : i32
    %mul3A_1 = arith.constant 512 : i32
    %mul3A_2 = arith.muli %add3A, %mul3A_1 : i32
    "tpu.region"() ({
      %run_scoped3A = tpu.sem_alloc : memref<!tpu.dma_semaphore, #tpu.memory_space<semaphore_mem>>
      %dma_start3A_192 = arith.constant 0 : i32
      %dma_start3A_193 = tpu.memref_slice %arg8[%dma_start3A_192] : memref<528xi32, #tpu.memory_space<vmem>> -> memref<512xi32, #tpu.memory_space<vmem>>
      %dma_start3A_194 = tpu.memref_slice %arg4[%mul3A_2] : memref<16384xi32, #tpu.memory_space<hbm>> -> memref<512xi32, #tpu.memory_space<hbm>>
      %dma_start3A_195 = arith.constant 0 : i32
      %dma_start3A_196 = tpu.memref_slice %arg8[%dma_start3A_195] : memref<528xi32, #tpu.memory_space<vmem>> -> memref<512xi32, #tpu.memory_space<vmem>>
      %dma_start3A_197 = tpu.memref_slice %arg4[%mul3A_2] : memref<16384xi32, #tpu.memory_space<hbm>> -> memref<512xi32, #tpu.memory_space<hbm>>
      tpu.enqueue_dma source(%dma_start3A_197 : memref<512xi32, #tpu.memory_space<hbm>>) target(%dma_start3A_196 : memref<512xi32, #tpu.memory_space<vmem>>) target_semaphore(%run_scoped3A : memref<!tpu.dma_semaphore, #tpu.memory_space<semaphore_mem>>)
      %dma_wait3A = arith.constant 0 : i32
      %dma_wait3A_198 = tpu.memref_slice %arg8[%dma_wait3A] : memref<528xi32, #tpu.memory_space<vmem>> -> memref<512xi32, #tpu.memory_space<vmem>>
      %dma_wait3A_199 = tpu.memref_slice %arg4[%mul3A_2] : memref<16384xi32, #tpu.memory_space<hbm>> -> memref<512xi32, #tpu.memory_space<hbm>>
      %dma_wait3A_200 = arith.constant 0 : i32
      %dma_wait3A_201 = tpu.memref_slice %arg8[%dma_wait3A_200] : memref<528xi32, #tpu.memory_space<vmem>> -> memref<512xi32, #tpu.memory_space<vmem>>
      %dma_wait3A_202 = tpu.memref_slice %arg4[%mul3A_2] : memref<16384xi32, #tpu.memory_space<hbm>> -> memref<512xi32, #tpu.memory_space<hbm>>
      tpu.wait_dma2 semaphore(%run_scoped3A : memref<!tpu.dma_semaphore, #tpu.memory_space<semaphore_mem>>) src(%dma_wait3A_202 : memref<512xi32, #tpu.memory_space<hbm>>) dst(%dma_wait3A_201 : memref<512xi32, #tpu.memory_space<vmem>>)
      tpu.yield
    }) : () -> ()
    "tpu.region"() ({
      %run_scoped3A = tpu.sem_alloc : memref<!tpu.dma_semaphore, #tpu.memory_space<semaphore_mem>>
      %dma_start3A_192 = arith.constant 0 : i32
      %dma_start3A_193 = tpu.memref_slice %arg9[%dma_start3A_192] : memref<528xi32, #tpu.memory_space<vmem>> -> memref<512xi32, #tpu.memory_space<vmem>>
      %dma_start3A_194 = tpu.memref_slice %arg5[%mul3A_2] : memref<16384xi32, #tpu.memory_space<hbm>> -> memref<512xi32, #tpu.memory_space<hbm>>
      %dma_start3A_195 = arith.constant 0 : i32
      %dma_start3A_196 = tpu.memref_slice %arg9[%dma_start3A_195] : memref<528xi32, #tpu.memory_space<vmem>> -> memref<512xi32, #tpu.memory_space<vmem>>
      %dma_start3A_197 = tpu.memref_slice %arg5[%mul3A_2] : memref<16384xi32, #tpu.memory_space<hbm>> -> memref<512xi32, #tpu.memory_space<hbm>>
      tpu.enqueue_dma source(%dma_start3A_197 : memref<512xi32, #tpu.memory_space<hbm>>) target(%dma_start3A_196 : memref<512xi32, #tpu.memory_space<vmem>>) target_semaphore(%run_scoped3A : memref<!tpu.dma_semaphore, #tpu.memory_space<semaphore_mem>>)
      %dma_wait3A = arith.constant 0 : i32
      %dma_wait3A_198 = tpu.memref_slice %arg9[%dma_wait3A] : memref<528xi32, #tpu.memory_space<vmem>> -> memref<512xi32, #tpu.memory_space<vmem>>
      %dma_wait3A_199 = tpu.memref_slice %arg5[%mul3A_2] : memref<16384xi32, #tpu.memory_space<hbm>> -> memref<512xi32, #tpu.memory_space<hbm>>
      %dma_wait3A_200 = arith.constant 0 : i32
      %dma_wait3A_201 = tpu.memref_slice %arg9[%dma_wait3A_200] : memref<528xi32, #tpu.memory_space<vmem>> -> memref<512xi32, #tpu.memory_space<vmem>>
      %dma_wait3A_202 = tpu.memref_slice %arg5[%mul3A_2] : memref<16384xi32, #tpu.memory_space<hbm>> -> memref<512xi32, #tpu.memory_space<hbm>>
      tpu.wait_dma2 semaphore(%run_scoped3A : memref<!tpu.dma_semaphore, #tpu.memory_space<semaphore_mem>>) src(%dma_wait3A_202 : memref<512xi32, #tpu.memory_space<hbm>>) dst(%dma_wait3A_201 : memref<512xi32, #tpu.memory_space<vmem>>)
      tpu.yield
    }) : () -> ()
    %iota3A = tpu.iota {dimensions = array<i32: 0>} : vector<16xi32>
    %add3A_3 = arith.constant 16 : i32
    %add3A_4 = vector.broadcast %add3A_3 : i32 to vector<16xi32>
    %add3A_5 = arith.addi %iota3A, %add3A_4 : vector<16xi32>
    %mul3A_6 = arith.constant 0 : i32
    %mul3A_7 = vector.broadcast %mul3A_6 : i32 to vector<16xi32>
    %mul3A_8 = arith.muli %iota3A, %mul3A_7 : vector<16xi32>
    %add3A_9 = arith.constant 32 : i32
    %add3A_10 = vector.broadcast %add3A_9 : i32 to vector<16xi32>
    %add3A_11 = arith.addi %mul3A_8, %add3A_10 : vector<16xi32>
    %eq3A = arith.constant 0 : i32
    %eq3A_12 = vector.broadcast %eq3A : i32 to vector<16xi32>
    %eq3A_13 = arith.cmpi eq, %iota3A, %eq3A_12 : vector<16xi32>
    %get3A = arith.constant 0 : index
    %get3A_14 = tpu.vector_load %arg8[%get3A] {strides = array<i32>} : memref<528xi32, #tpu.memory_space<vmem>>, vector<16xi32>,
    %get3A_15 = arith.constant 0 : index
    %get3A_16 = tpu.vector_load %arg9[%get3A_15] {strides = array<i32>} : memref<528xi32, #tpu.memory_space<vmem>>, vector<16xi32>,
    %slice3A = vector.extract_strided_slice %get3A_14 {offsets = [0], sizes = [1], strides = [1]} : vector<16xi32> to vector<1xi32>
    %squeeze3A = vector.extract %slice3A[0] : i32 from vector<1xi32>
    %shift_right_arithmetic3A = arith.constant 7 : i32
    %shift_right_arithmetic3A_17 = arith.shrsi %squeeze3A, %shift_right_arithmetic3A : i32
    %shift_left3A = arith.constant 7 : i32
    %shift_left3A_18 = arith.shli %shift_right_arithmetic3A_17, %shift_left3A : i32
    %multiple_of3A = tpu.assume_multiple %shift_left3A_18, 128 : i32
    %dma_start3A = arith.constant 0 : i32
    %dma_start3A_19 = tpu.memref_slice %arg2[%dma_start3A, %multiple_of3A] : memref<33x1000000xf32, #tpu.memory_space<hbm>> -> memref<33x128xf32, #tpu.memory_space<hbm>>
    %dma_start3A_20 = arith.constant 0 : i32
    %dma_start3A_21 = tpu.memref_slice %arg2[%dma_start3A_20, %multiple_of3A] : memref<33x1000000xf32, #tpu.memory_space<hbm>> -> memref<33x128xf32, #tpu.memory_space<hbm>>
    tpu.enqueue_dma source(%dma_start3A_21 : memref<33x128xf32, #tpu.memory_space<hbm>>) target(%arg12 : memref<33x128xf32, #tpu.memory_space<vmem>>) target_semaphore(%arg28 : memref<!tpu.dma_semaphore, #tpu.memory_space<semaphore_mem>>)
    %slice3A_22 = vector.extract_strided_slice %get3A_16 {offsets = [0], sizes = [1], strides = [1]} : vector<16xi32> to vector<1xi32>
    %squeeze3A_23 = vector.extract %slice3A_22[0] : i32 from vector<1xi32>
    %shift_right_arithmetic3A_24 = arith.constant 7 : i32
    %shift_right_arithmetic3A_25 = arith.shrsi %squeeze3A_23, %shift_right_arithmetic3A_24 : i32
    %shift_left3A_26 = arith.constant 7 : i32
    %shift_left3A_27 = arith.shli %shift_right_arithmetic3A_25, %shift_left3A_26 : i32
    %multiple_of3A_28 = tpu.assume_multiple %shift_left3A_27, 128 : i32
    %dma_start3A_29 = arith.constant 0 : i32
    %dma_start3A_30 = tpu.memref_slice %arg3[%dma_start3A_29, %multiple_of3A_28] : memref<33x1000000xf32, #tpu.memory_space<hbm>> -> memref<33x128xf32, #tpu.memory_space<hbm>>
    %dma_start3A_31 = arith.constant 0 : i32
    %dma_start3A_32 = tpu.memref_slice %arg3[%dma_start3A_31, %multiple_of3A_28] : memref<33x1000000xf32, #tpu.memory_space<hbm>> -> memref<33x128xf32, #tpu.memory_space<hbm>>
    tpu.enqueue_dma source(%dma_start3A_32 : memref<33x128xf32, #tpu.memory_space<hbm>>) target(%arg20 : memref<33x128xf32, #tpu.memory_space<vmem>>) target_semaphore(%arg36 : memref<!tpu.dma_semaphore, #tpu.memory_space<semaphore_mem>>)
    %slice3A_33 = vector.extract_strided_slice %get3A_14 {offsets = [1], sizes = [1], strides = [1]} : vector<16xi32> to vector<1xi32>
    %squeeze3A_34 = vector.extract %slice3A_33[0] : i32 from vector<1xi32>
    %shift_right_arithmetic3A_35 = arith.constant 7 : i32
    %shift_right_arithmetic3A_36 = arith.shrsi %squeeze3A_34, %shift_right_arithmetic3A_35 : i32
    %shift_left3A_37 = arith.constant 7 : i32
    %shift_left3A_38 = arith.shli %shift_right_arithmetic3A_36, %shift_left3A_37 : i32
    %multiple_of3A_39 = tpu.assume_multiple %shift_left3A_38, 128 : i32
    %dma_start3A_40 = arith.constant 0 : i32
    %dma_start3A_41 = tpu.memref_slice %arg2[%dma_start3A_40, %multiple_of3A_39] : memref<33x1000000xf32, #tpu.memory_space<hbm>> -> memref<33x128xf32, #tpu.memory_space<hbm>>
    %dma_start3A_42 = arith.constant 0 : i32
    %dma_start3A_43 = tpu.memref_slice %arg2[%dma_start3A_42, %multiple_of3A_39] : memref<33x1000000xf32, #tpu.memory_space<hbm>> -> memref<33x128xf32, #tpu.memory_space<hbm>>
    tpu.enqueue_dma source(%dma_start3A_43 : memref<33x128xf32, #tpu.memory_space<hbm>>) target(%arg13 : memref<33x128xf32, #tpu.memory_space<vmem>>) target_semaphore(%arg29 : memref<!tpu.dma_semaphore, #tpu.memory_space<semaphore_mem>>)
    %slice3A_44 = vector.extract_strided_slice %get3A_16 {offsets = [1], sizes = [1], strides = [1]} : vector<16xi32> to vector<1xi32>
    %squeeze3A_45 = vector.extract %slice3A_44[0] : i32 from vector<1xi32>
    %shift_right_arithmetic3A_46 = arith.constant 7 : i32
    %shift_right_arithmetic3A_47 = arith.shrsi %squeeze3A_45, %shift_right_arithmetic3A_46 : i32
    %shift_left3A_48 = arith.constant 7 : i32
    %shift_left3A_49 = arith.shli %shift_right_arithmetic3A_47, %shift_left3A_48 : i32
    %multiple_of3A_50 = tpu.assume_multiple %shift_left3A_49, 128 : i32
    %dma_start3A_51 = arith.constant 0 : i32
    %dma_start3A_52 = tpu.memref_slice %arg3[%dma_start3A_51, %multiple_of3A_50] : memref<33x1000000xf32, #tpu.memory_space<hbm>> -> memref<33x128xf32, #tpu.memory_space<hbm>>
    %dma_start3A_53 = arith.constant 0 : i32
    %dma_start3A_54 = tpu.memref_slice %arg3[%dma_start3A_53, %multiple_of3A_50] : memref<33x1000000xf32, #tpu.memory_space<hbm>> -> memref<33x128xf32, #tpu.memory_space<hbm>>
    tpu.enqueue_dma source(%dma_start3A_54 : memref<33x128xf32, #tpu.memory_space<hbm>>) target(%arg21 : memref<33x128xf32, #tpu.memory_space<vmem>>) target_semaphore(%arg37 : memref<!tpu.dma_semaphore, #tpu.memory_space<semaphore_mem>>)
    %slice3A_55 = vector.extract_strided_slice %get3A_14 {offsets = [2], sizes = [1], strides = [1]} : vector<16xi32> to vector<1xi32>
    %squeeze3A_56 = vector.extract %slice3A_55[0] : i32 from vector<1xi32>
    %shift_right_arithmetic3A_57 = arith.constant 7 : i32
    %shift_right_arithmetic3A_58 = arith.shrsi %squeeze3A_56, %shift_right_arithmetic3A_57 : i32
    %shift_left3A_59 = arith.constant 7 : i32
    %shift_left3A_60 = arith.shli %shift_right_arithmetic3A_58, %shift_left3A_59 : i32
    %multiple_of3A_61 = tpu.assume_multiple %shift_left3A_60, 128 : i32
    %dma_start3A_62 = arith.constant 0 : i32
    %dma_start3A_63 = tpu.memref_slice %arg2[%dma_start3A_62, %multiple_of3A_61] : memref<33x1000000xf32, #tpu.memory_space<hbm>> -> memref<33x128xf32, #tpu.memory_space<hbm>>
    %dma_start3A_64 = arith.constant 0 : i32
    %dma_start3A_65 = tpu.memref_slice %arg2[%dma_start3A_64, %multiple_of3A_61] : memref<33x1000000xf32, #tpu.memory_space<hbm>> -> memref<33x128xf32, #tpu.memory_space<hbm>>
    tpu.enqueue_dma source(%dma_start3A_65 : memref<33x128xf32, #tpu.memory_space<hbm>>) target(%arg14 : memref<33x128xf32, #tpu.memory_space<vmem>>) target_semaphore(%arg30 : memref<!tpu.dma_semaphore, #tpu.memory_space<semaphore_mem>>)
    %slice3A_66 = vector.extract_strided_slice %get3A_16 {offsets = [2], sizes = [1], strides = [1]} : vector<16xi32> to vector<1xi32>
    %squeeze3A_67 = vector.extract %slice3A_66[0] : i32 from vector<1xi32>
    %shift_right_arithmetic3A_68 = arith.constant 7 : i32
    %shift_right_arithmetic3A_69 = arith.shrsi %squeeze3A_67, %shift_right_arithmetic3A_68 : i32
    %shift_left3A_70 = arith.constant 7 : i32
    %shift_left3A_71 = arith.shli %shift_right_arithmetic3A_69, %shift_left3A_70 : i32
    %multiple_of3A_72 = tpu.assume_multiple %shift_left3A_71, 128 : i32
    %dma_start3A_73 = arith.constant 0 : i32
    %dma_start3A_74 = tpu.memref_slice %arg3[%dma_start3A_73, %multiple_of3A_72] : memref<33x1000000xf32, #tpu.memory_space<hbm>> -> memref<33x128xf32, #tpu.memory_space<hbm>>
    %dma_start3A_75 = arith.constant 0 : i32
    %dma_start3A_76 = tpu.memref_slice %arg3[%dma_start3A_75, %multiple_of3A_72] : memref<33x1000000xf32, #tpu.memory_space<hbm>> -> memref<33x128xf32, #tpu.memory_space<hbm>>
    tpu.enqueue_dma source(%dma_start3A_76 : memref<33x128xf32, #tpu.memory_space<hbm>>) target(%arg22 : memref<33x128xf32, #tpu.memory_space<vmem>>) target_semaphore(%arg38 : memref<!tpu.dma_semaphore, #tpu.memory_space<semaphore_mem>>)
    %slice3A_77 = vector.extract_strided_slice %get3A_14 {offsets = [3], sizes = [1], strides = [1]} : vector<16xi32> to vector<1xi32>
    %squeeze3A_78 = vector.extract %slice3A_77[0] : i32 from vector<1xi32>
    %shift_right_arithmetic3A_79 = arith.constant 7 : i32
    %shift_right_arithmetic3A_80 = arith.shrsi %squeeze3A_78, %shift_right_arithmetic3A_79 : i32
    %shift_left3A_81 = arith.constant 7 : i32
    %shift_left3A_82 = arith.shli %shift_right_arithmetic3A_80, %shift_left3A_81 : i32
    %multiple_of3A_83 = tpu.assume_multiple %shift_left3A_82, 128 : i32
    %dma_start3A_84 = arith.constant 0 : i32
    %dma_start3A_85 = tpu.memref_slice %arg2[%dma_start3A_84, %multiple_of3A_83] : memref<33x1000000xf32, #tpu.memory_space<hbm>> -> memref<33x128xf32, #tpu.memory_space<hbm>>
    %dma_start3A_86 = arith.constant 0 : i32
    %dma_start3A_87 = tpu.memref_slice %arg2[%dma_start3A_86, %multiple_of3A_83] : memref<33x1000000xf32, #tpu.memory_space<hbm>> -> memref<33x128xf32, #tpu.memory_space<hbm>>
    tpu.enqueue_dma source(%dma_start3A_87 : memref<33x128xf32, #tpu.memory_space<hbm>>) target(%arg15 : memref<33x128xf32, #tpu.memory_space<vmem>>) target_semaphore(%arg31 : memref<!tpu.dma_semaphore, #tpu.memory_space<semaphore_mem>>)
    %slice3A_88 = vector.extract_strided_slice %get3A_16 {offsets = [3], sizes = [1], strides = [1]} : vector<16xi32> to vector<1xi32>
    %squeeze3A_89 = vector.extract %slice3A_88[0] : i32 from vector<1xi32>
    %shift_right_arithmetic3A_90 = arith.constant 7 : i32
    %shift_right_arithmetic3A_91 = arith.shrsi %squeeze3A_89, %shift_right_arithmetic3A_90 : i32
    %shift_left3A_92 = arith.constant 7 : i32
    %shift_left3A_93 = arith.shli %shift_right_arithmetic3A_91, %shift_left3A_92 : i32
    %multiple_of3A_94 = tpu.assume_multiple %shift_left3A_93, 128 : i32
    %dma_start3A_95 = arith.constant 0 : i32
    %dma_start3A_96 = tpu.memref_slice %arg3[%dma_start3A_95, %multiple_of3A_94] : memref<33x1000000xf32, #tpu.memory_space<hbm>> -> memref<33x128xf32, #tpu.memory_space<hbm>>
    %dma_start3A_97 = arith.constant 0 : i32
    %dma_start3A_98 = tpu.memref_slice %arg3[%dma_start3A_97, %multiple_of3A_94] : memref<33x1000000xf32, #tpu.memory_space<hbm>> -> memref<33x128xf32, #tpu.memory_space<hbm>>
    tpu.enqueue_dma source(%dma_start3A_98 : memref<33x128xf32, #tpu.memory_space<hbm>>) target(%arg23 : memref<33x128xf32, #tpu.memory_space<vmem>>) target_semaphore(%arg39 : memref<!tpu.dma_semaphore, #tpu.memory_space<semaphore_mem>>)
    %slice3A_99 = vector.extract_strided_slice %get3A_14 {offsets = [4], sizes = [1], strides = [1]} : vector<16xi32> to vector<1xi32>
    %squeeze3A_100 = vector.extract %slice3A_99[0] : i32 from vector<1xi32>
    %shift_right_arithmetic3A_101 = arith.constant 7 : i32
    %shift_right_arithmetic3A_102 = arith.shrsi %squeeze3A_100, %shift_right_arithmetic3A_101 : i32
    %shift_left3A_103 = arith.constant 7 : i32
    %shift_left3A_104 = arith.shli %shift_right_arithmetic3A_102, %shift_left3A_103 : i32
    %multiple_of3A_105 = tpu.assume_multiple %shift_left3A_104, 128 : i32
    %dma_start3A_106 = arith.constant 0 : i32
    %dma_start3A_107 = tpu.memref_slice %arg2[%dma_start3A_106, %multiple_of3A_105] : memref<33x1000000xf32, #tpu.memory_space<hbm>> -> memref<33x128xf32, #tpu.memory_space<hbm>>
    %dma_start3A_108 = arith.constant 0 : i32
    %dma_start3A_109 = tpu.memref_slice %arg2[%dma_start3A_108, %multiple_of3A_105] : memref<33x1000000xf32, #tpu.memory_space<hbm>> -> memref<33x128xf32, #tpu.memory_space<hbm>>
    tpu.enqueue_dma source(%dma_start3A_109 : memref<33x128xf32, #tpu.memory_space<hbm>>) target(%arg16 : memref<33x128xf32, #tpu.memory_space<vmem>>) target_semaphore(%arg32 : memref<!tpu.dma_semaphore, #tpu.memory_space<semaphore_mem>>)
    %slice3A_110 = vector.extract_strided_slice %get3A_16 {offsets = [4], sizes = [1], strides = [1]} : vector<16xi32> to vector<1xi32>
    %squeeze3A_111 = vector.extract %slice3A_110[0] : i32 from vector<1xi32>
    %shift_right_arithmetic3A_112 = arith.constant 7 : i32
    %shift_right_arithmetic3A_113 = arith.shrsi %squeeze3A_111, %shift_right_arithmetic3A_112 : i32
    %shift_left3A_114 = arith.constant 7 : i32
    %shift_left3A_115 = arith.shli %shift_right_arithmetic3A_113, %shift_left3A_114 : i32
    %multiple_of3A_116 = tpu.assume_multiple %shift_left3A_115, 128 : i32
    %dma_start3A_117 = arith.constant 0 : i32
    %dma_start3A_118 = tpu.memref_slice %arg3[%dma_start3A_117, %multiple_of3A_116] : memref<33x1000000xf32, #tpu.memory_space<hbm>> -> memref<33x128xf32, #tpu.memory_space<hbm>>
    %dma_start3A_119 = arith.constant 0 : i32
    %dma_start3A_120 = tpu.memref_slice %arg3[%dma_start3A_119, %multiple_of3A_116] : memref<33x1000000xf32, #tpu.memory_space<hbm>> -> memref<33x128xf32, #tpu.memory_space<hbm>>
    tpu.enqueue_dma source(%dma_start3A_120 : memref<33x128xf32, #tpu.memory_space<hbm>>) target(%arg24 : memref<33x128xf32, #tpu.memory_space<vmem>>) target_semaphore(%arg40 : memref<!tpu.dma_semaphore, #tpu.memory_space<semaphore_mem>>)
    %slice3A_121 = vector.extract_strided_slice %get3A_14 {offsets = [5], sizes = [1], strides = [1]} : vector<16xi32> to vector<1xi32>
    %squeeze3A_122 = vector.extract %slice3A_121[0] : i32 from vector<1xi32>
    %shift_right_arithmetic3A_123 = arith.constant 7 : i32
    %shift_right_arithmetic3A_124 = arith.shrsi %squeeze3A_122, %shift_right_arithmetic3A_123 : i32
    %shift_left3A_125 = arith.constant 7 : i32
    %shift_left3A_126 = arith.shli %shift_right_arithmetic3A_124, %shift_left3A_125 : i32
    %multiple_of3A_127 = tpu.assume_multiple %shift_left3A_126, 128 : i32
    %dma_start3A_128 = arith.constant 0 : i32
    %dma_start3A_129 = tpu.memref_slice %arg2[%dma_start3A_128, %multiple_of3A_127] : memref<33x1000000xf32, #tpu.memory_space<hbm>> -> memref<33x128xf32, #tpu.memory_space<hbm>>
    %dma_start3A_130 = arith.constant 0 : i32
    %dma_start3A_131 = tpu.memref_slice %arg2[%dma_start3A_130, %multiple_of3A_127] : memref<33x1000000xf32, #tpu.memory_space<hbm>> -> memref<33x128xf32, #tpu.memory_space<hbm>>
    tpu.enqueue_dma source(%dma_start3A_131 : memref<33x128xf32, #tpu.memory_space<hbm>>) target(%arg17 : memref<33x128xf32, #tpu.memory_space<vmem>>) target_semaphore(%arg33 : memref<!tpu.dma_semaphore, #tpu.memory_space<semaphore_mem>>)
    %slice3A_132 = vector.extract_strided_slice %get3A_16 {offsets = [5], sizes = [1], strides = [1]} : vector<16xi32> to vector<1xi32>
    %squeeze3A_133 = vector.extract %slice3A_132[0] : i32 from vector<1xi32>
    %shift_right_arithmetic3A_134 = arith.constant 7 : i32
    %shift_right_arithmetic3A_135 = arith.shrsi %squeeze3A_133, %shift_right_arithmetic3A_134 : i32
    %shift_left3A_136 = arith.constant 7 : i32
    %shift_left3A_137 = arith.shli %shift_right_arithmetic3A_135, %shift_left3A_136 : i32
    %multiple_of3A_138 = tpu.assume_multiple %shift_left3A_137, 128 : i32
    %dma_start3A_139 = arith.constant 0 : i32
    %dma_start3A_140 = tpu.memref_slice %arg3[%dma_start3A_139, %multiple_of3A_138] : memref<33x1000000xf32, #tpu.memory_space<hbm>> -> memref<33x128xf32, #tpu.memory_space<hbm>>
    %dma_start3A_141 = arith.constant 0 : i32
    %dma_start3A_142 = tpu.memref_slice %arg3[%dma_start3A_141, %multiple_of3A_138] : memref<33x1000000xf32, #tpu.memory_space<hbm>> -> memref<33x128xf32, #tpu.memory_space<hbm>>
    tpu.enqueue_dma source(%dma_start3A_142 : memref<33x128xf32, #tpu.memory_space<hbm>>) target(%arg25 : memref<33x128xf32, #tpu.memory_space<vmem>>) target_semaphore(%arg41 : memref<!tpu.dma_semaphore, #tpu.memory_space<semaphore_mem>>)
    %slice3A_143 = vector.extract_strided_slice %get3A_14 {offsets = [6], sizes = [1], strides = [1]} : vector<16xi32> to vector<1xi32>
    %squeeze3A_144 = vector.extract %slice3A_143[0] : i32 from vector<1xi32>
    %shift_right_arithmetic3A_145 = arith.constant 7 : i32
    %shift_right_arithmetic3A_146 = arith.shrsi %squeeze3A_144, %shift_right_arithmetic3A_145 : i32
    %shift_left3A_147 = arith.constant 7 : i32
    %shift_left3A_148 = arith.shli %shift_right_arithmetic3A_146, %shift_left3A_147 : i32
    %multiple_of3A_149 = tpu.assume_multiple %shift_left3A_148, 128 : i32
    %dma_start3A_150 = arith.constant 0 : i32
    %dma_start3A_151 = tpu.memref_slice %arg2[%dma_start3A_150, %multiple_of3A_149] : memref<33x1000000xf32, #tpu.memory_space<hbm>> -> memref<33x128xf32, #tpu.memory_space<hbm>>
    %dma_start3A_152 = arith.constant 0 : i32
    %dma_start3A_153 = tpu.memref_slice %arg2[%dma_start3A_152, %multiple_of3A_149] : memref<33x1000000xf32, #tpu.memory_space<hbm>> -> memref<33x128xf32, #tpu.memory_space<hbm>>
    tpu.enqueue_dma source(%dma_start3A_153 : memref<33x128xf32, #tpu.memory_space<hbm>>) target(%arg18 : memref<33x128xf32, #tpu.memory_space<vmem>>) target_semaphore(%arg34 : memref<!tpu.dma_semaphore, #tpu.memory_space<semaphore_mem>>)
    %slice3A_154 = vector.extract_strided_slice %get3A_16 {offsets = [6], sizes = [1], strides = [1]} : vector<16xi32> to vector<1xi32>
    %squeeze3A_155 = vector.extract %slice3A_154[0] : i32 from vector<1xi32>
    %shift_right_arithmetic3A_156 = arith.constant 7 : i32
    %shift_right_arithmetic3A_157 = arith.shrsi %squeeze3A_155, %shift_right_arithmetic3A_156 : i32
    %shift_left3A_158 = arith.constant 7 : i32
    %shift_left3A_159 = arith.shli %shift_right_arithmetic3A_157, %shift_left3A_158 : i32
    %multiple_of3A_160 = tpu.assume_multiple %shift_left3A_159, 128 : i32
    %dma_start3A_161 = arith.constant 0 : i32
    %dma_start3A_162 = tpu.memref_slice %arg3[%dma_start3A_161, %multiple_of3A_160] : memref<33x1000000xf32, #tpu.memory_space<hbm>> -> memref<33x128xf32, #tpu.memory_space<hbm>>
    %dma_start3A_163 = arith.constant 0 : i32
    %dma_start3A_164 = tpu.memref_slice %arg3[%dma_start3A_163, %multiple_of3A_160] : memref<33x1000000xf32, #tpu.memory_space<hbm>> -> memref<33x128xf32, #tpu.memory_space<hbm>>
    tpu.enqueue_dma source(%dma_start3A_164 : memref<33x128xf32, #tpu.memory_space<hbm>>) target(%arg26 : memref<33x128xf32, #tpu.memory_space<vmem>>) target_semaphore(%arg42 : memref<!tpu.dma_semaphore, #tpu.memory_space<semaphore_mem>>)
    %slice3A_165 = vector.extract_strided_slice %get3A_14 {offsets = [7], sizes = [1], strides = [1]} : vector<16xi32> to vector<1xi32>
    %squeeze3A_166 = vector.extract %slice3A_165[0] : i32 from vector<1xi32>
    %shift_right_arithmetic3A_167 = arith.constant 7 : i32
    %shift_right_arithmetic3A_168 = arith.shrsi %squeeze3A_166, %shift_right_arithmetic3A_167 : i32
    %shift_left3A_169 = arith.constant 7 : i32
    %shift_left3A_170 = arith.shli %shift_right_arithmetic3A_168, %shift_left3A_169 : i32
    %multiple_of3A_171 = tpu.assume_multiple %shift_left3A_170, 128 : i32
    %dma_start3A_172 = arith.constant 0 : i32
    %dma_start3A_173 = tpu.memref_slice %arg2[%dma_start3A_172, %multiple_of3A_171] : memref<33x1000000xf32, #tpu.memory_space<hbm>> -> memref<33x128xf32, #tpu.memory_space<hbm>>
    %dma_start3A_174 = arith.constant 0 : i32
    %dma_start3A_175 = tpu.memref_slice %arg2[%dma_start3A_174, %multiple_of3A_171] : memref<33x1000000xf32, #tpu.memory_space<hbm>> -> memref<33x128xf32, #tpu.memory_space<hbm>>
    tpu.enqueue_dma source(%dma_start3A_175 : memref<33x128xf32, #tpu.memory_space<hbm>>) target(%arg19 : memref<33x128xf32, #tpu.memory_space<vmem>>) target_semaphore(%arg35 : memref<!tpu.dma_semaphore, #tpu.memory_space<semaphore_mem>>)
    %slice3A_176 = vector.extract_strided_slice %get3A_16 {offsets = [7], sizes = [1], strides = [1]} : vector<16xi32> to vector<1xi32>
    %squeeze3A_177 = vector.extract %slice3A_176[0] : i32 from vector<1xi32>
    %shift_right_arithmetic3A_178 = arith.constant 7 : i32
    %shift_right_arithmetic3A_179 = arith.shrsi %squeeze3A_177, %shift_right_arithmetic3A_178 : i32
    %shift_left3A_180 = arith.constant 7 : i32
    %shift_left3A_181 = arith.shli %shift_right_arithmetic3A_179, %shift_left3A_180 : i32
    %multiple_of3A_182 = tpu.assume_multiple %shift_left3A_181, 128 : i32
    %dma_start3A_183 = arith.constant 0 : i32
    %dma_start3A_184 = tpu.memref_slice %arg3[%dma_start3A_183, %multiple_of3A_182] : memref<33x1000000xf32, #tpu.memory_space<hbm>> -> memref<33x128xf32, #tpu.memory_space<hbm>>
    %dma_start3A_185 = arith.constant 0 : i32
    %dma_start3A_186 = tpu.memref_slice %arg3[%dma_start3A_185, %multiple_of3A_182] : memref<33x1000000xf32, #tpu.memory_space<hbm>> -> memref<33x128xf32, #tpu.memory_space<hbm>>
    tpu.enqueue_dma source(%dma_start3A_186 : memref<33x128xf32, #tpu.memory_space<hbm>>) target(%arg27 : memref<33x128xf32, #tpu.memory_space<vmem>>) target_semaphore(%arg43 : memref<!tpu.dma_semaphore, #tpu.memory_space<semaphore_mem>>)
    %scan3A = arith.constant 0 : i32
    %scan3A_187 = arith.constant 0 : i32
    %scan3A_188 = arith.constant 64 : i32
    %scan3A_189 = arith.addi %scan3A_187, %scan3A_188 : i32
    %scan3A_190 = arith.constant 1 : i32
    scf.for %scan3A_192 = %scan3A_187 to %scan3A_189 step %scan3A_190  : i32 {
      %mul3A_193 = arith.constant 8 : i32
      %mul3A_194 = arith.muli %scan3A_192, %mul3A_193 : i32
      %get3A_195 = arith.index_cast %mul3A_194 : i32 to index
      %get3A_196 = tpu.vector_load %arg8[%get3A_195] {strides = array<i32>} : memref<528xi32, #tpu.memory_space<vmem>>, vector<16xi32>,
      %mul3A_197 = arith.constant 8 : i32
      %mul3A_198 = arith.muli %scan3A_192, %mul3A_197 : i32
      %get3A_199 = arith.index_cast %mul3A_198 : i32 to index
      %get3A_200 = tpu.vector_load %arg9[%get3A_199] {strides = array<i32>} : memref<528xi32, #tpu.memory_space<vmem>>, vector<16xi32>,
      %mul3A_201 = arith.constant 8 : i32
      %mul3A_202 = arith.muli %scan3A_192, %mul3A_201 : i32
      %add3A_203 = arith.constant 0 : i32
      %add3A_204 = arith.addi %mul3A_202, %add3A_203 : i32
      %slice3A_205 = vector.extract_strided_slice %get3A_196 {offsets = [0], sizes = [1], strides = [1]} : vector<16xi32> to vector<1xi32>
      %squeeze3A_206 = vector.extract %slice3A_205[0] : i32 from vector<1xi32>
      %dma_wait3A = arith.constant 0 : i32
      %dma_wait3A_207 = arith.constant 0 : i32
      %dma_wait3A_208 = tpu.memref_slice %arg2[%dma_wait3A, %dma_wait3A_207] : memref<33x1000000xf32, #tpu.memory_space<hbm>> -> memref<33x128xf32, #tpu.memory_space<hbm>>
      %dma_wait3A_209 = arith.constant 0 : i32
      %dma_wait3A_210 = arith.constant 0 : i32
      %dma_wait3A_211 = tpu.memref_slice %arg2[%dma_wait3A_209, %dma_wait3A_210] : memref<33x1000000xf32, #tpu.memory_space<hbm>> -> memref<33x128xf32, #tpu.memory_space<hbm>>
      tpu.wait_dma2 semaphore(%arg28 : memref<!tpu.dma_semaphore, #tpu.memory_space<semaphore_mem>>) src(%dma_wait3A_211 : memref<33x128xf32, #tpu.memory_space<hbm>>) dst(%arg12 : memref<33x128xf32, #tpu.memory_space<vmem>>)
      %mul3A_212 = arith.constant 0 : i32
      %mul3A_213 = vector.broadcast %mul3A_212 : i32 to vector<16xi32>
      %mul3A_214 = arith.muli %iota3A, %mul3A_213 : vector<16xi32>
      %and3A = arith.constant 127 : i32
      %and3A_215 = arith.andi %squeeze3A_206, %and3A : i32
      %add3A_216 = vector.broadcast %and3A_215 : i32 to vector<16xi32>
      %add3A_217 = arith.addi %mul3A_214, %add3A_216 : vector<16xi32>
      %gather3A = tpu.vector_load_idx %arg12[%iota3A, %add3A_217] : memref<33x128xf32, #tpu.memory_space<vmem>>[vector<16xi32>, vector<16xi32>], vector<16xf32>,
      %gather3A_218 = tpu.vector_load_idx %arg12[%add3A_5, %add3A_217] : memref<33x128xf32, #tpu.memory_space<vmem>>[vector<16xi32>, vector<16xi32>], vector<16xf32>,
      %gather3A_219 = tpu.vector_load_idx %arg12[%add3A_11, %add3A_217] : memref<33x128xf32, #tpu.memory_space<vmem>>[vector<16xi32>, vector<16xi32>], vector<16xf32>,
      %mul3A_220 = arith.constant 0 : i32
      %mul3A_221 = vector.broadcast %mul3A_220 : i32 to vector<16xi32>
      %mul3A_222 = arith.muli %iota3A, %mul3A_221 : vector<16xi32>
      %add3A_223 = vector.broadcast %add3A_204 : i32 to vector<16xi32>
      %add3A_224 = arith.addi %mul3A_222, %add3A_223 : vector<16xi32>
      tpu.vector_store_idx %arg10[%iota3A, %add3A_224], %gather3A : memref<33x512xf32, #tpu.memory_space<vmem>>[vector<16xi32>, vector<16xi32>], vector<16xf32>,
      tpu.vector_store_idx %arg10[%add3A_5, %add3A_224], %gather3A_218 : memref<33x512xf32, #tpu.memory_space<vmem>>[vector<16xi32>, vector<16xi32>], vector<16xf32>,
      tpu.vector_store_idx %arg10[%add3A_11, %add3A_224], %gather3A_219 masked %eq3A_13 : memref<33x512xf32, #tpu.memory_space<vmem>>[vector<16xi32>, vector<16xi32>], vector<16xf32>, vector<16xi1>
      %lt3A = arith.constant 63 : i32
      %lt3A_225 = arith.cmpi slt, %scan3A_192, %lt3A : i32
      %convert_element_type3A = arith.extui %lt3A_225 : i1 to i32
      %cond3A = arith.constant 0 : i32
      %cond3A_226 = arith.cmpi ne, %convert_element_type3A, %cond3A : i32
      scf.if %cond3A_226 {
        %slice3A_707 = vector.extract_strided_slice %get3A_196 {offsets = [8], sizes = [1], strides = [1]} : vector<16xi32> to vector<1xi32>
        %squeeze3A_708 = vector.extract %slice3A_707[0] : i32 from vector<1xi32>
        %shift_right_arithmetic3A_709 = arith.constant 7 : i32
        %shift_right_arithmetic3A_710 = arith.shrsi %squeeze3A_708, %shift_right_arithmetic3A_709 : i32
        %shift_left3A_711 = arith.constant 7 : i32
        %shift_left3A_712 = arith.shli %shift_right_arithmetic3A_710, %shift_left3A_711 : i32
        %multiple_of3A_713 = tpu.assume_multiple %shift_left3A_712, 128 : i32
        %dma_start3A_714 = arith.constant 0 : i32
        %dma_start3A_715 = tpu.memref_slice %arg2[%dma_start3A_714, %multiple_of3A_713] : memref<33x1000000xf32, #tpu.memory_space<hbm>> -> memref<33x128xf32, #tpu.memory_space<hbm>>
        %dma_start3A_716 = arith.constant 0 : i32
        %dma_start3A_717 = tpu.memref_slice %arg2[%dma_start3A_716, %multiple_of3A_713] : memref<33x1000000xf32, #tpu.memory_space<hbm>> -> memref<33x128xf32, #tpu.memory_space<hbm>>
        tpu.enqueue_dma source(%dma_start3A_717 : memref<33x128xf32, #tpu.memory_space<hbm>>) target(%arg12 : memref<33x128xf32, #tpu.memory_space<vmem>>) target_semaphore(%arg28 : memref<!tpu.dma_semaphore, #tpu.memory_space<semaphore_mem>>)
      } else {
      }
      %mul3A_227 = arith.constant 8 : i32
      %mul3A_228 = arith.muli %scan3A_192, %mul3A_227 : i32
      %add3A_229 = arith.constant 0 : i32
      %add3A_230 = arith.addi %mul3A_228, %add3A_229 : i32
      %slice3A_231 = vector.extract_strided_slice %get3A_200 {offsets = [0], sizes = [1], strides = [1]} : vector<16xi32> to vector<1xi32>
      %squeeze3A_232 = vector.extract %slice3A_231[0] : i32 from vector<1xi32>
      %dma_wait3A_233 = arith.constant 0 : i32
      %dma_wait3A_234 = arith.constant 0 : i32
      %dma_wait3A_235 = tpu.memref_slice %arg3[%dma_wait3A_233, %dma_wait3A_234] : memref<33x1000000xf32, #tpu.memory_space<hbm>> -> memref<33x128xf32, #tpu.memory_space<hbm>>
      %dma_wait3A_236 = arith.constant 0 : i32
      %dma_wait3A_237 = arith.constant 0 : i32
      %dma_wait3A_238 = tpu.memref_slice %arg3[%dma_wait3A_236, %dma_wait3A_237] : memref<33x1000000xf32, #tpu.memory_space<hbm>> -> memref<33x128xf32, #tpu.memory_space<hbm>>
      tpu.wait_dma2 semaphore(%arg36 : memref<!tpu.dma_semaphore, #tpu.memory_space<semaphore_mem>>) src(%dma_wait3A_238 : memref<33x128xf32, #tpu.memory_space<hbm>>) dst(%arg20 : memref<33x128xf32, #tpu.memory_space<vmem>>)
      %mul3A_239 = arith.constant 0 : i32
      %mul3A_240 = vector.broadcast %mul3A_239 : i32 to vector<16xi32>
      %mul3A_241 = arith.muli %iota3A, %mul3A_240 : vector<16xi32>
      %and3A_242 = arith.constant 127 : i32
      %and3A_243 = arith.andi %squeeze3A_232, %and3A_242 : i32
      %add3A_244 = vector.broadcast %and3A_243 : i32 to vector<16xi32>
      %add3A_245 = arith.addi %mul3A_241, %add3A_244 : vector<16xi32>
      %gather3A_246 = tpu.vector_load_idx %arg20[%iota3A, %add3A_245] : memref<33x128xf32, #tpu.memory_space<vmem>>[vector<16xi32>, vector<16xi32>], vector<16xf32>,
      %gather3A_247 = tpu.vector_load_idx %arg20[%add3A_5, %add3A_245] : memref<33x128xf32, #tpu.memory_space<vmem>>[vector<16xi32>, vector<16xi32>], vector<16xf32>,
      %gather3A_248 = tpu.vector_load_idx %arg20[%add3A_11, %add3A_245] : memref<33x128xf32, #tpu.memory_space<vmem>>[vector<16xi32>, vector<16xi32>], vector<16xf32>,
      %mul3A_249 = arith.constant 0 : i32
      %mul3A_250 = vector.broadcast %mul3A_249 : i32 to vector<16xi32>
      %mul3A_251 = arith.muli %iota3A, %mul3A_250 : vector<16xi32>
      %add3A_252 = vector.broadcast %add3A_230 : i32 to vector<16xi32>
      %add3A_253 = arith.addi %mul3A_251, %add3A_252 : vector<16xi32>
      tpu.vector_store_idx %arg11[%iota3A, %add3A_253], %gather3A_246 : memref<33x512xf32, #tpu.memory_space<vmem>>[vector<16xi32>, vector<16xi32>], vector<16xf32>,
      tpu.vector_store_idx %arg11[%add3A_5, %add3A_253], %gather3A_247 : memref<33x512xf32, #tpu.memory_space<vmem>>[vector<16xi32>, vector<16xi32>], vector<16xf32>,
      tpu.vector_store_idx %arg11[%add3A_11, %add3A_253], %gather3A_248 masked %eq3A_13 : memref<33x512xf32, #tpu.memory_space<vmem>>[vector<16xi32>, vector<16xi32>], vector<16xf32>, vector<16xi1>
      %lt3A_254 = arith.constant 63 : i32
      %lt3A_255 = arith.cmpi slt, %scan3A_192, %lt3A_254 : i32
      %convert_element_type3A_256 = arith.extui %lt3A_255 : i1 to i32
      %cond3A_257 = arith.constant 0 : i32
      %cond3A_258 = arith.cmpi ne, %convert_element_type3A_256, %cond3A_257 : i32
      scf.if %cond3A_258 {
        %slice3A_707 = vector.extract_strided_slice %get3A_200 {offsets = [8], sizes = [1], strides = [1]} : vector<16xi32> to vector<1xi32>
        %squeeze3A_708 = vector.extract %slice3A_707[0] : i32 from vector<1xi32>
        %shift_right_arithmetic3A_709 = arith.constant 7 : i32
        %shift_right_arithmetic3A_710 = arith.shrsi %squeeze3A_708, %shift_right_arithmetic3A_709 : i32
        %shift_left3A_711 = arith.constant 7 : i32
        %shift_left3A_712 = arith.shli %shift_right_arithmetic3A_710, %shift_left3A_711 : i32
        %multiple_of3A_713 = tpu.assume_multiple %shift_left3A_712, 128 : i32
        %dma_start3A_714 = arith.constant 0 : i32
        %dma_start3A_715 = tpu.memref_slice %arg3[%dma_start3A_714, %multiple_of3A_713] : memref<33x1000000xf32, #tpu.memory_space<hbm>> -> memref<33x128xf32, #tpu.memory_space<hbm>>
        %dma_start3A_716 = arith.constant 0 : i32
        %dma_start3A_717 = tpu.memref_slice %arg3[%dma_start3A_716, %multiple_of3A_713] : memref<33x1000000xf32, #tpu.memory_space<hbm>> -> memref<33x128xf32, #tpu.memory_space<hbm>>
        tpu.enqueue_dma source(%dma_start3A_717 : memref<33x128xf32, #tpu.memory_space<hbm>>) target(%arg20 : memref<33x128xf32, #tpu.memory_space<vmem>>) target_semaphore(%arg36 : memref<!tpu.dma_semaphore, #tpu.memory_space<semaphore_mem>>)
      } else {
      }
      %mul3A_259 = arith.constant 8 : i32
      %mul3A_260 = arith.muli %scan3A_192, %mul3A_259 : i32
      %add3A_261 = arith.constant 1 : i32
      %add3A_262 = arith.addi %mul3A_260, %add3A_261 : i32
      %slice3A_263 = vector.extract_strided_slice %get3A_196 {offsets = [1], sizes = [1], strides = [1]} : vector<16xi32> to vector<1xi32>
      %squeeze3A_264 = vector.extract %slice3A_263[0] : i32 from vector<1xi32>
      %dma_wait3A_265 = arith.constant 0 : i32
      %dma_wait3A_266 = arith.constant 0 : i32
      %dma_wait3A_267 = tpu.memref_slice %arg2[%dma_wait3A_265, %dma_wait3A_266] : memref<33x1000000xf32, #tpu.memory_space<hbm>> -> memref<33x128xf32, #tpu.memory_space<hbm>>
      %dma_wait3A_268 = arith.constant 0 : i32
      %dma_wait3A_269 = arith.constant 0 : i32
      %dma_wait3A_270 = tpu.memref_slice %arg2[%dma_wait3A_268, %dma_wait3A_269] : memref<33x1000000xf32, #tpu.memory_space<hbm>> -> memref<33x128xf32, #tpu.memory_space<hbm>>
      tpu.wait_dma2 semaphore(%arg29 : memref<!tpu.dma_semaphore, #tpu.memory_space<semaphore_mem>>) src(%dma_wait3A_270 : memref<33x128xf32, #tpu.memory_space<hbm>>) dst(%arg13 : memref<33x128xf32, #tpu.memory_space<vmem>>)
      %mul3A_271 = arith.constant 0 : i32
      %mul3A_272 = vector.broadcast %mul3A_271 : i32 to vector<16xi32>
      %mul3A_273 = arith.muli %iota3A, %mul3A_272 : vector<16xi32>
      %and3A_274 = arith.constant 127 : i32
      %and3A_275 = arith.andi %squeeze3A_264, %and3A_274 : i32
      %add3A_276 = vector.broadcast %and3A_275 : i32 to vector<16xi32>
      %add3A_277 = arith.addi %mul3A_273, %add3A_276 : vector<16xi32>
      %gather3A_278 = tpu.vector_load_idx %arg13[%iota3A, %add3A_277] : memref<33x128xf32, #tpu.memory_space<vmem>>[vector<16xi32>, vector<16xi32>], vector<16xf32>,
      %gather3A_279 = tpu.vector_load_idx %arg13[%add3A_5, %add3A_277] : memref<33x128xf32, #tpu.memory_space<vmem>>[vector<16xi32>, vector<16xi32>], vector<16xf32>,
      %gather3A_280 = tpu.vector_load_idx %arg13[%add3A_11, %add3A_277] : memref<33x128xf32, #tpu.memory_space<vmem>>[vector<16xi32>, vector<16xi32>], vector<16xf32>,
      %mul3A_281 = arith.constant 0 : i32
      %mul3A_282 = vector.broadcast %mul3A_281 : i32 to vector<16xi32>
      %mul3A_283 = arith.muli %iota3A, %mul3A_282 : vector<16xi32>
      %add3A_284 = vector.broadcast %add3A_262 : i32 to vector<16xi32>
      %add3A_285 = arith.addi %mul3A_283, %add3A_284 : vector<16xi32>
      tpu.vector_store_idx %arg10[%iota3A, %add3A_285], %gather3A_278 : memref<33x512xf32, #tpu.memory_space<vmem>>[vector<16xi32>, vector<16xi32>], vector<16xf32>,
      tpu.vector_store_idx %arg10[%add3A_5, %add3A_285], %gather3A_279 : memref<33x512xf32, #tpu.memory_space<vmem>>[vector<16xi32>, vector<16xi32>], vector<16xf32>,
      tpu.vector_store_idx %arg10[%add3A_11, %add3A_285], %gather3A_280 masked %eq3A_13 : memref<33x512xf32, #tpu.memory_space<vmem>>[vector<16xi32>, vector<16xi32>], vector<16xf32>, vector<16xi1>
      %lt3A_286 = arith.constant 63 : i32
      %lt3A_287 = arith.cmpi slt, %scan3A_192, %lt3A_286 : i32
      %convert_element_type3A_288 = arith.extui %lt3A_287 : i1 to i32
      %cond3A_289 = arith.constant 0 : i32
      %cond3A_290 = arith.cmpi ne, %convert_element_type3A_288, %cond3A_289 : i32
      scf.if %cond3A_290 {
        %slice3A_707 = vector.extract_strided_slice %get3A_196 {offsets = [9], sizes = [1], strides = [1]} : vector<16xi32> to vector<1xi32>
        %squeeze3A_708 = vector.extract %slice3A_707[0] : i32 from vector<1xi32>
        %shift_right_arithmetic3A_709 = arith.constant 7 : i32
        %shift_right_arithmetic3A_710 = arith.shrsi %squeeze3A_708, %shift_right_arithmetic3A_709 : i32
        %shift_left3A_711 = arith.constant 7 : i32
        %shift_left3A_712 = arith.shli %shift_right_arithmetic3A_710, %shift_left3A_711 : i32
        %multiple_of3A_713 = tpu.assume_multiple %shift_left3A_712, 128 : i32
        %dma_start3A_714 = arith.constant 0 : i32
        %dma_start3A_715 = tpu.memref_slice %arg2[%dma_start3A_714, %multiple_of3A_713] : memref<33x1000000xf32, #tpu.memory_space<hbm>> -> memref<33x128xf32, #tpu.memory_space<hbm>>
        %dma_start3A_716 = arith.constant 0 : i32
        %dma_start3A_717 = tpu.memref_slice %arg2[%dma_start3A_716, %multiple_of3A_713] : memref<33x1000000xf32, #tpu.memory_space<hbm>> -> memref<33x128xf32, #tpu.memory_space<hbm>>
        tpu.enqueue_dma source(%dma_start3A_717 : memref<33x128xf32, #tpu.memory_space<hbm>>) target(%arg13 : memref<33x128xf32, #tpu.memory_space<vmem>>) target_semaphore(%arg29 : memref<!tpu.dma_semaphore, #tpu.memory_space<semaphore_mem>>)
      } else {
      }
      %mul3A_291 = arith.constant 8 : i32
      %mul3A_292 = arith.muli %scan3A_192, %mul3A_291 : i32
      %add3A_293 = arith.constant 1 : i32
      %add3A_294 = arith.addi %mul3A_292, %add3A_293 : i32
      %slice3A_295 = vector.extract_strided_slice %get3A_200 {offsets = [1], sizes = [1], strides = [1]} : vector<16xi32> to vector<1xi32>
      %squeeze3A_296 = vector.extract %slice3A_295[0] : i32 from vector<1xi32>
      %dma_wait3A_297 = arith.constant 0 : i32
      %dma_wait3A_298 = arith.constant 0 : i32
      %dma_wait3A_299 = tpu.memref_slice %arg3[%dma_wait3A_297, %dma_wait3A_298] : memref<33x1000000xf32, #tpu.memory_space<hbm>> -> memref<33x128xf32, #tpu.memory_space<hbm>>
      %dma_wait3A_300 = arith.constant 0 : i32
      %dma_wait3A_301 = arith.constant 0 : i32
      %dma_wait3A_302 = tpu.memref_slice %arg3[%dma_wait3A_300, %dma_wait3A_301] : memref<33x1000000xf32, #tpu.memory_space<hbm>> -> memref<33x128xf32, #tpu.memory_space<hbm>>
      tpu.wait_dma2 semaphore(%arg37 : memref<!tpu.dma_semaphore, #tpu.memory_space<semaphore_mem>>) src(%dma_wait3A_302 : memref<33x128xf32, #tpu.memory_space<hbm>>) dst(%arg21 : memref<33x128xf32, #tpu.memory_space<vmem>>)
      %mul3A_303 = arith.constant 0 : i32
      %mul3A_304 = vector.broadcast %mul3A_303 : i32 to vector<16xi32>
      %mul3A_305 = arith.muli %iota3A, %mul3A_304 : vector<16xi32>
      %and3A_306 = arith.constant 127 : i32
      %and3A_307 = arith.andi %squeeze3A_296, %and3A_306 : i32
      %add3A_308 = vector.broadcast %and3A_307 : i32 to vector<16xi32>
      %add3A_309 = arith.addi %mul3A_305, %add3A_308 : vector<16xi32>
      %gather3A_310 = tpu.vector_load_idx %arg21[%iota3A, %add3A_309] : memref<33x128xf32, #tpu.memory_space<vmem>>[vector<16xi32>, vector<16xi32>], vector<16xf32>,
      %gather3A_311 = tpu.vector_load_idx %arg21[%add3A_5, %add3A_309] : memref<33x128xf32, #tpu.memory_space<vmem>>[vector<16xi32>, vector<16xi32>], vector<16xf32>,
      %gather3A_312 = tpu.vector_load_idx %arg21[%add3A_11, %add3A_309] : memref<33x128xf32, #tpu.memory_space<vmem>>[vector<16xi32>, vector<16xi32>], vector<16xf32>,
      %mul3A_313 = arith.constant 0 : i32
      %mul3A_314 = vector.broadcast %mul3A_313 : i32 to vector<16xi32>
      %mul3A_315 = arith.muli %iota3A, %mul3A_314 : vector<16xi32>
      %add3A_316 = vector.broadcast %add3A_294 : i32 to vector<16xi32>
      %add3A_317 = arith.addi %mul3A_315, %add3A_316 : vector<16xi32>
      tpu.vector_store_idx %arg11[%iota3A, %add3A_317], %gather3A_310 : memref<33x512xf32, #tpu.memory_space<vmem>>[vector<16xi32>, vector<16xi32>], vector<16xf32>,
      tpu.vector_store_idx %arg11[%add3A_5, %add3A_317], %gather3A_311 : memref<33x512xf32, #tpu.memory_space<vmem>>[vector<16xi32>, vector<16xi32>], vector<16xf32>,
      tpu.vector_store_idx %arg11[%add3A_11, %add3A_317], %gather3A_312 masked %eq3A_13 : memref<33x512xf32, #tpu.memory_space<vmem>>[vector<16xi32>, vector<16xi32>], vector<16xf32>, vector<16xi1>
      %lt3A_318 = arith.constant 63 : i32
      %lt3A_319 = arith.cmpi slt, %scan3A_192, %lt3A_318 : i32
      %convert_element_type3A_320 = arith.extui %lt3A_319 : i1 to i32
      %cond3A_321 = arith.constant 0 : i32
      %cond3A_322 = arith.cmpi ne, %convert_element_type3A_320, %cond3A_321 : i32
      scf.if %cond3A_322 {
        %slice3A_707 = vector.extract_strided_slice %get3A_200 {offsets = [9], sizes = [1], strides = [1]} : vector<16xi32> to vector<1xi32>
        %squeeze3A_708 = vector.extract %slice3A_707[0] : i32 from vector<1xi32>
        %shift_right_arithmetic3A_709 = arith.constant 7 : i32
        %shift_right_arithmetic3A_710 = arith.shrsi %squeeze3A_708, %shift_right_arithmetic3A_709 : i32
        %shift_left3A_711 = arith.constant 7 : i32
        %shift_left3A_712 = arith.shli %shift_right_arithmetic3A_710, %shift_left3A_711 : i32
        %multiple_of3A_713 = tpu.assume_multiple %shift_left3A_712, 128 : i32
        %dma_start3A_714 = arith.constant 0 : i32
        %dma_start3A_715 = tpu.memref_slice %arg3[%dma_start3A_714, %multiple_of3A_713] : memref<33x1000000xf32, #tpu.memory_space<hbm>> -> memref<33x128xf32, #tpu.memory_space<hbm>>
        %dma_start3A_716 = arith.constant 0 : i32
        %dma_start3A_717 = tpu.memref_slice %arg3[%dma_start3A_716, %multiple_of3A_713] : memref<33x1000000xf32, #tpu.memory_space<hbm>> -> memref<33x128xf32, #tpu.memory_space<hbm>>
        tpu.enqueue_dma source(%dma_start3A_717 : memref<33x128xf32, #tpu.memory_space<hbm>>) target(%arg21 : memref<33x128xf32, #tpu.memory_space<vmem>>) target_semaphore(%arg37 : memref<!tpu.dma_semaphore, #tpu.memory_space<semaphore_mem>>)
      } else {
      }
      %mul3A_323 = arith.constant 8 : i32
      %mul3A_324 = arith.muli %scan3A_192, %mul3A_323 : i32
      %add3A_325 = arith.constant 2 : i32
      %add3A_326 = arith.addi %mul3A_324, %add3A_325 : i32
      %slice3A_327 = vector.extract_strided_slice %get3A_196 {offsets = [2], sizes = [1], strides = [1]} : vector<16xi32> to vector<1xi32>
      %squeeze3A_328 = vector.extract %slice3A_327[0] : i32 from vector<1xi32>
      %dma_wait3A_329 = arith.constant 0 : i32
      %dma_wait3A_330 = arith.constant 0 : i32
      %dma_wait3A_331 = tpu.memref_slice %arg2[%dma_wait3A_329, %dma_wait3A_330] : memref<33x1000000xf32, #tpu.memory_space<hbm>> -> memref<33x128xf32, #tpu.memory_space<hbm>>
      %dma_wait3A_332 = arith.constant 0 : i32
      %dma_wait3A_333 = arith.constant 0 : i32
      %dma_wait3A_334 = tpu.memref_slice %arg2[%dma_wait3A_332, %dma_wait3A_333] : memref<33x1000000xf32, #tpu.memory_space<hbm>> -> memref<33x128xf32, #tpu.memory_space<hbm>>
      tpu.wait_dma2 semaphore(%arg30 : memref<!tpu.dma_semaphore, #tpu.memory_space<semaphore_mem>>) src(%dma_wait3A_334 : memref<33x128xf32, #tpu.memory_space<hbm>>) dst(%arg14 : memref<33x128xf32, #tpu.memory_space<vmem>>)
      %mul3A_335 = arith.constant 0 : i32
      %mul3A_336 = vector.broadcast %mul3A_335 : i32 to vector<16xi32>
      %mul3A_337 = arith.muli %iota3A, %mul3A_336 : vector<16xi32>
      %and3A_338 = arith.constant 127 : i32
      %and3A_339 = arith.andi %squeeze3A_328, %and3A_338 : i32
      %add3A_340 = vector.broadcast %and3A_339 : i32 to vector<16xi32>
      %add3A_341 = arith.addi %mul3A_337, %add3A_340 : vector<16xi32>
      %gather3A_342 = tpu.vector_load_idx %arg14[%iota3A, %add3A_341] : memref<33x128xf32, #tpu.memory_space<vmem>>[vector<16xi32>, vector<16xi32>], vector<16xf32>,
      %gather3A_343 = tpu.vector_load_idx %arg14[%add3A_5, %add3A_341] : memref<33x128xf32, #tpu.memory_space<vmem>>[vector<16xi32>, vector<16xi32>], vector<16xf32>,
      %gather3A_344 = tpu.vector_load_idx %arg14[%add3A_11, %add3A_341] : memref<33x128xf32, #tpu.memory_space<vmem>>[vector<16xi32>, vector<16xi32>], vector<16xf32>,
      %mul3A_345 = arith.constant 0 : i32
      %mul3A_346 = vector.broadcast %mul3A_345 : i32 to vector<16xi32>
      %mul3A_347 = arith.muli %iota3A, %mul3A_346 : vector<16xi32>
      %add3A_348 = vector.broadcast %add3A_326 : i32 to vector<16xi32>
      %add3A_349 = arith.addi %mul3A_347, %add3A_348 : vector<16xi32>
      tpu.vector_store_idx %arg10[%iota3A, %add3A_349], %gather3A_342 : memref<33x512xf32, #tpu.memory_space<vmem>>[vector<16xi32>, vector<16xi32>], vector<16xf32>,
      tpu.vector_store_idx %arg10[%add3A_5, %add3A_349], %gather3A_343 : memref<33x512xf32, #tpu.memory_space<vmem>>[vector<16xi32>, vector<16xi32>], vector<16xf32>,
      tpu.vector_store_idx %arg10[%add3A_11, %add3A_349], %gather3A_344 masked %eq3A_13 : memref<33x512xf32, #tpu.memory_space<vmem>>[vector<16xi32>, vector<16xi32>], vector<16xf32>, vector<16xi1>
      %lt3A_350 = arith.constant 63 : i32
      %lt3A_351 = arith.cmpi slt, %scan3A_192, %lt3A_350 : i32
      %convert_element_type3A_352 = arith.extui %lt3A_351 : i1 to i32
      %cond3A_353 = arith.constant 0 : i32
      %cond3A_354 = arith.cmpi ne, %convert_element_type3A_352, %cond3A_353 : i32
      scf.if %cond3A_354 {
        %slice3A_707 = vector.extract_strided_slice %get3A_196 {offsets = [10], sizes = [1], strides = [1]} : vector<16xi32> to vector<1xi32>
        %squeeze3A_708 = vector.extract %slice3A_707[0] : i32 from vector<1xi32>
        %shift_right_arithmetic3A_709 = arith.constant 7 : i32
        %shift_right_arithmetic3A_710 = arith.shrsi %squeeze3A_708, %shift_right_arithmetic3A_709 : i32
        %shift_left3A_711 = arith.constant 7 : i32
        %shift_left3A_712 = arith.shli %shift_right_arithmetic3A_710, %shift_left3A_711 : i32
        %multiple_of3A_713 = tpu.assume_multiple %shift_left3A_712, 128 : i32
        %dma_start3A_714 = arith.constant 0 : i32
        %dma_start3A_715 = tpu.memref_slice %arg2[%dma_start3A_714, %multiple_of3A_713] : memref<33x1000000xf32, #tpu.memory_space<hbm>> -> memref<33x128xf32, #tpu.memory_space<hbm>>
        %dma_start3A_716 = arith.constant 0 : i32
        %dma_start3A_717 = tpu.memref_slice %arg2[%dma_start3A_716, %multiple_of3A_713] : memref<33x1000000xf32, #tpu.memory_space<hbm>> -> memref<33x128xf32, #tpu.memory_space<hbm>>
        tpu.enqueue_dma source(%dma_start3A_717 : memref<33x128xf32, #tpu.memory_space<hbm>>) target(%arg14 : memref<33x128xf32, #tpu.memory_space<vmem>>) target_semaphore(%arg30 : memref<!tpu.dma_semaphore, #tpu.memory_space<semaphore_mem>>)
      } else {
      }
      %mul3A_355 = arith.constant 8 : i32
      %mul3A_356 = arith.muli %scan3A_192, %mul3A_355 : i32
      %add3A_357 = arith.constant 2 : i32
      %add3A_358 = arith.addi %mul3A_356, %add3A_357 : i32
      %slice3A_359 = vector.extract_strided_slice %get3A_200 {offsets = [2], sizes = [1], strides = [1]} : vector<16xi32> to vector<1xi32>
      %squeeze3A_360 = vector.extract %slice3A_359[0] : i32 from vector<1xi32>
      %dma_wait3A_361 = arith.constant 0 : i32
      %dma_wait3A_362 = arith.constant 0 : i32
      %dma_wait3A_363 = tpu.memref_slice %arg3[%dma_wait3A_361, %dma_wait3A_362] : memref<33x1000000xf32, #tpu.memory_space<hbm>> -> memref<33x128xf32, #tpu.memory_space<hbm>>
      %dma_wait3A_364 = arith.constant 0 : i32
      %dma_wait3A_365 = arith.constant 0 : i32
      %dma_wait3A_366 = tpu.memref_slice %arg3[%dma_wait3A_364, %dma_wait3A_365] : memref<33x1000000xf32, #tpu.memory_space<hbm>> -> memref<33x128xf32, #tpu.memory_space<hbm>>
      tpu.wait_dma2 semaphore(%arg38 : memref<!tpu.dma_semaphore, #tpu.memory_space<semaphore_mem>>) src(%dma_wait3A_366 : memref<33x128xf32, #tpu.memory_space<hbm>>) dst(%arg22 : memref<33x128xf32, #tpu.memory_space<vmem>>)
      %mul3A_367 = arith.constant 0 : i32
      %mul3A_368 = vector.broadcast %mul3A_367 : i32 to vector<16xi32>
      %mul3A_369 = arith.muli %iota3A, %mul3A_368 : vector<16xi32>
      %and3A_370 = arith.constant 127 : i32
      %and3A_371 = arith.andi %squeeze3A_360, %and3A_370 : i32
      %add3A_372 = vector.broadcast %and3A_371 : i32 to vector<16xi32>
      %add3A_373 = arith.addi %mul3A_369, %add3A_372 : vector<16xi32>
      %gather3A_374 = tpu.vector_load_idx %arg22[%iota3A, %add3A_373] : memref<33x128xf32, #tpu.memory_space<vmem>>[vector<16xi32>, vector<16xi32>], vector<16xf32>,
      %gather3A_375 = tpu.vector_load_idx %arg22[%add3A_5, %add3A_373] : memref<33x128xf32, #tpu.memory_space<vmem>>[vector<16xi32>, vector<16xi32>], vector<16xf32>,
      %gather3A_376 = tpu.vector_load_idx %arg22[%add3A_11, %add3A_373] : memref<33x128xf32, #tpu.memory_space<vmem>>[vector<16xi32>, vector<16xi32>], vector<16xf32>,
      %mul3A_377 = arith.constant 0 : i32
      %mul3A_378 = vector.broadcast %mul3A_377 : i32 to vector<16xi32>
      %mul3A_379 = arith.muli %iota3A, %mul3A_378 : vector<16xi32>
      %add3A_380 = vector.broadcast %add3A_358 : i32 to vector<16xi32>
      %add3A_381 = arith.addi %mul3A_379, %add3A_380 : vector<16xi32>
      tpu.vector_store_idx %arg11[%iota3A, %add3A_381], %gather3A_374 : memref<33x512xf32, #tpu.memory_space<vmem>>[vector<16xi32>, vector<16xi32>], vector<16xf32>,
      tpu.vector_store_idx %arg11[%add3A_5, %add3A_381], %gather3A_375 : memref<33x512xf32, #tpu.memory_space<vmem>>[vector<16xi32>, vector<16xi32>], vector<16xf32>,
      tpu.vector_store_idx %arg11[%add3A_11, %add3A_381], %gather3A_376 masked %eq3A_13 : memref<33x512xf32, #tpu.memory_space<vmem>>[vector<16xi32>, vector<16xi32>], vector<16xf32>, vector<16xi1>
      %lt3A_382 = arith.constant 63 : i32
      %lt3A_383 = arith.cmpi slt, %scan3A_192, %lt3A_382 : i32
      %convert_element_type3A_384 = arith.extui %lt3A_383 : i1 to i32
      %cond3A_385 = arith.constant 0 : i32
      %cond3A_386 = arith.cmpi ne, %convert_element_type3A_384, %cond3A_385 : i32
      scf.if %cond3A_386 {
        %slice3A_707 = vector.extract_strided_slice %get3A_200 {offsets = [10], sizes = [1], strides = [1]} : vector<16xi32> to vector<1xi32>
        %squeeze3A_708 = vector.extract %slice3A_707[0] : i32 from vector<1xi32>
        %shift_right_arithmetic3A_709 = arith.constant 7 : i32
        %shift_right_arithmetic3A_710 = arith.shrsi %squeeze3A_708, %shift_right_arithmetic3A_709 : i32
        %shift_left3A_711 = arith.constant 7 : i32
        %shift_left3A_712 = arith.shli %shift_right_arithmetic3A_710, %shift_left3A_711 : i32
        %multiple_of3A_713 = tpu.assume_multiple %shift_left3A_712, 128 : i32
        %dma_start3A_714 = arith.constant 0 : i32
        %dma_start3A_715 = tpu.memref_slice %arg3[%dma_start3A_714, %multiple_of3A_713] : memref<33x1000000xf32, #tpu.memory_space<hbm>> -> memref<33x128xf32, #tpu.memory_space<hbm>>
        %dma_start3A_716 = arith.constant 0 : i32
        %dma_start3A_717 = tpu.memref_slice %arg3[%dma_start3A_716, %multiple_of3A_713] : memref<33x1000000xf32, #tpu.memory_space<hbm>> -> memref<33x128xf32, #tpu.memory_space<hbm>>
        tpu.enqueue_dma source(%dma_start3A_717 : memref<33x128xf32, #tpu.memory_space<hbm>>) target(%arg22 : memref<33x128xf32, #tpu.memory_space<vmem>>) target_semaphore(%arg38 : memref<!tpu.dma_semaphore, #tpu.memory_space<semaphore_mem>>)
      } else {
      }
      %mul3A_387 = arith.constant 8 : i32
      %mul3A_388 = arith.muli %scan3A_192, %mul3A_387 : i32
      %add3A_389 = arith.constant 3 : i32
      %add3A_390 = arith.addi %mul3A_388, %add3A_389 : i32
      %slice3A_391 = vector.extract_strided_slice %get3A_196 {offsets = [3], sizes = [1], strides = [1]} : vector<16xi32> to vector<1xi32>
      %squeeze3A_392 = vector.extract %slice3A_391[0] : i32 from vector<1xi32>
      %dma_wait3A_393 = arith.constant 0 : i32
      %dma_wait3A_394 = arith.constant 0 : i32
      %dma_wait3A_395 = tpu.memref_slice %arg2[%dma_wait3A_393, %dma_wait3A_394] : memref<33x1000000xf32, #tpu.memory_space<hbm>> -> memref<33x128xf32, #tpu.memory_space<hbm>>
      %dma_wait3A_396 = arith.constant 0 : i32
      %dma_wait3A_397 = arith.constant 0 : i32
      %dma_wait3A_398 = tpu.memref_slice %arg2[%dma_wait3A_396, %dma_wait3A_397] : memref<33x1000000xf32, #tpu.memory_space<hbm>> -> memref<33x128xf32, #tpu.memory_space<hbm>>
      tpu.wait_dma2 semaphore(%arg31 : memref<!tpu.dma_semaphore, #tpu.memory_space<semaphore_mem>>) src(%dma_wait3A_398 : memref<33x128xf32, #tpu.memory_space<hbm>>) dst(%arg15 : memref<33x128xf32, #tpu.memory_space<vmem>>)
      %mul3A_399 = arith.constant 0 : i32
      %mul3A_400 = vector.broadcast %mul3A_399 : i32 to vector<16xi32>
      %mul3A_401 = arith.muli %iota3A, %mul3A_400 : vector<16xi32>
      %and3A_402 = arith.constant 127 : i32
      %and3A_403 = arith.andi %squeeze3A_392, %and3A_402 : i32
      %add3A_404 = vector.broadcast %and3A_403 : i32 to vector<16xi32>
      %add3A_405 = arith.addi %mul3A_401, %add3A_404 : vector<16xi32>
      %gather3A_406 = tpu.vector_load_idx %arg15[%iota3A, %add3A_405] : memref<33x128xf32, #tpu.memory_space<vmem>>[vector<16xi32>, vector<16xi32>], vector<16xf32>,
      %gather3A_407 = tpu.vector_load_idx %arg15[%add3A_5, %add3A_405] : memref<33x128xf32, #tpu.memory_space<vmem>>[vector<16xi32>, vector<16xi32>], vector<16xf32>,
      %gather3A_408 = tpu.vector_load_idx %arg15[%add3A_11, %add3A_405] : memref<33x128xf32, #tpu.memory_space<vmem>>[vector<16xi32>, vector<16xi32>], vector<16xf32>,
      %mul3A_409 = arith.constant 0 : i32
      %mul3A_410 = vector.broadcast %mul3A_409 : i32 to vector<16xi32>
      %mul3A_411 = arith.muli %iota3A, %mul3A_410 : vector<16xi32>
      %add3A_412 = vector.broadcast %add3A_390 : i32 to vector<16xi32>
      %add3A_413 = arith.addi %mul3A_411, %add3A_412 : vector<16xi32>
      tpu.vector_store_idx %arg10[%iota3A, %add3A_413], %gather3A_406 : memref<33x512xf32, #tpu.memory_space<vmem>>[vector<16xi32>, vector<16xi32>], vector<16xf32>,
      tpu.vector_store_idx %arg10[%add3A_5, %add3A_413], %gather3A_407 : memref<33x512xf32, #tpu.memory_space<vmem>>[vector<16xi32>, vector<16xi32>], vector<16xf32>,
      tpu.vector_store_idx %arg10[%add3A_11, %add3A_413], %gather3A_408 masked %eq3A_13 : memref<33x512xf32, #tpu.memory_space<vmem>>[vector<16xi32>, vector<16xi32>], vector<16xf32>, vector<16xi1>
      %lt3A_414 = arith.constant 63 : i32
      %lt3A_415 = arith.cmpi slt, %scan3A_192, %lt3A_414 : i32
      %convert_element_type3A_416 = arith.extui %lt3A_415 : i1 to i32
      %cond3A_417 = arith.constant 0 : i32
      %cond3A_418 = arith.cmpi ne, %convert_element_type3A_416, %cond3A_417 : i32
      scf.if %cond3A_418 {
        %slice3A_707 = vector.extract_strided_slice %get3A_196 {offsets = [11], sizes = [1], strides = [1]} : vector<16xi32> to vector<1xi32>
        %squeeze3A_708 = vector.extract %slice3A_707[0] : i32 from vector<1xi32>
        %shift_right_arithmetic3A_709 = arith.constant 7 : i32
        %shift_right_arithmetic3A_710 = arith.shrsi %squeeze3A_708, %shift_right_arithmetic3A_709 : i32
        %shift_left3A_711 = arith.constant 7 : i32
        %shift_left3A_712 = arith.shli %shift_right_arithmetic3A_710, %shift_left3A_711 : i32
        %multiple_of3A_713 = tpu.assume_multiple %shift_left3A_712, 128 : i32
        %dma_start3A_714 = arith.constant 0 : i32
        %dma_start3A_715 = tpu.memref_slice %arg2[%dma_start3A_714, %multiple_of3A_713] : memref<33x1000000xf32, #tpu.memory_space<hbm>> -> memref<33x128xf32, #tpu.memory_space<hbm>>
        %dma_start3A_716 = arith.constant 0 : i32
        %dma_start3A_717 = tpu.memref_slice %arg2[%dma_start3A_716, %multiple_of3A_713] : memref<33x1000000xf32, #tpu.memory_space<hbm>> -> memref<33x128xf32, #tpu.memory_space<hbm>>
        tpu.enqueue_dma source(%dma_start3A_717 : memref<33x128xf32, #tpu.memory_space<hbm>>) target(%arg15 : memref<33x128xf32, #tpu.memory_space<vmem>>) target_semaphore(%arg31 : memref<!tpu.dma_semaphore, #tpu.memory_space<semaphore_mem>>)
      } else {
      }
      %mul3A_419 = arith.constant 8 : i32
      %mul3A_420 = arith.muli %scan3A_192, %mul3A_419 : i32
      %add3A_421 = arith.constant 3 : i32
      %add3A_422 = arith.addi %mul3A_420, %add3A_421 : i32
      %slice3A_423 = vector.extract_strided_slice %get3A_200 {offsets = [3], sizes = [1], strides = [1]} : vector<16xi32> to vector<1xi32>
      %squeeze3A_424 = vector.extract %slice3A_423[0] : i32 from vector<1xi32>
      %dma_wait3A_425 = arith.constant 0 : i32
      %dma_wait3A_426 = arith.constant 0 : i32
      %dma_wait3A_427 = tpu.memref_slice %arg3[%dma_wait3A_425, %dma_wait3A_426] : memref<33x1000000xf32, #tpu.memory_space<hbm>> -> memref<33x128xf32, #tpu.memory_space<hbm>>
      %dma_wait3A_428 = arith.constant 0 : i32
      %dma_wait3A_429 = arith.constant 0 : i32
      %dma_wait3A_430 = tpu.memref_slice %arg3[%dma_wait3A_428, %dma_wait3A_429] : memref<33x1000000xf32, #tpu.memory_space<hbm>> -> memref<33x128xf32, #tpu.memory_space<hbm>>
      tpu.wait_dma2 semaphore(%arg39 : memref<!tpu.dma_semaphore, #tpu.memory_space<semaphore_mem>>) src(%dma_wait3A_430 : memref<33x128xf32, #tpu.memory_space<hbm>>) dst(%arg23 : memref<33x128xf32, #tpu.memory_space<vmem>>)
      %mul3A_431 = arith.constant 0 : i32
      %mul3A_432 = vector.broadcast %mul3A_431 : i32 to vector<16xi32>
      %mul3A_433 = arith.muli %iota3A, %mul3A_432 : vector<16xi32>
      %and3A_434 = arith.constant 127 : i32
      %and3A_435 = arith.andi %squeeze3A_424, %and3A_434 : i32
      %add3A_436 = vector.broadcast %and3A_435 : i32 to vector<16xi32>
      %add3A_437 = arith.addi %mul3A_433, %add3A_436 : vector<16xi32>
      %gather3A_438 = tpu.vector_load_idx %arg23[%iota3A, %add3A_437] : memref<33x128xf32, #tpu.memory_space<vmem>>[vector<16xi32>, vector<16xi32>], vector<16xf32>,
      %gather3A_439 = tpu.vector_load_idx %arg23[%add3A_5, %add3A_437] : memref<33x128xf32, #tpu.memory_space<vmem>>[vector<16xi32>, vector<16xi32>], vector<16xf32>,
      %gather3A_440 = tpu.vector_load_idx %arg23[%add3A_11, %add3A_437] : memref<33x128xf32, #tpu.memory_space<vmem>>[vector<16xi32>, vector<16xi32>], vector<16xf32>,
      %mul3A_441 = arith.constant 0 : i32
      %mul3A_442 = vector.broadcast %mul3A_441 : i32 to vector<16xi32>
      %mul3A_443 = arith.muli %iota3A, %mul3A_442 : vector<16xi32>
      %add3A_444 = vector.broadcast %add3A_422 : i32 to vector<16xi32>
      %add3A_445 = arith.addi %mul3A_443, %add3A_444 : vector<16xi32>
      tpu.vector_store_idx %arg11[%iota3A, %add3A_445], %gather3A_438 : memref<33x512xf32, #tpu.memory_space<vmem>>[vector<16xi32>, vector<16xi32>], vector<16xf32>,
      tpu.vector_store_idx %arg11[%add3A_5, %add3A_445], %gather3A_439 : memref<33x512xf32, #tpu.memory_space<vmem>>[vector<16xi32>, vector<16xi32>], vector<16xf32>,
      tpu.vector_store_idx %arg11[%add3A_11, %add3A_445], %gather3A_440 masked %eq3A_13 : memref<33x512xf32, #tpu.memory_space<vmem>>[vector<16xi32>, vector<16xi32>], vector<16xf32>, vector<16xi1>
      %lt3A_446 = arith.constant 63 : i32
      %lt3A_447 = arith.cmpi slt, %scan3A_192, %lt3A_446 : i32
      %convert_element_type3A_448 = arith.extui %lt3A_447 : i1 to i32
      %cond3A_449 = arith.constant 0 : i32
      %cond3A_450 = arith.cmpi ne, %convert_element_type3A_448, %cond3A_449 : i32
      scf.if %cond3A_450 {
        %slice3A_707 = vector.extract_strided_slice %get3A_200 {offsets = [11], sizes = [1], strides = [1]} : vector<16xi32> to vector<1xi32>
        %squeeze3A_708 = vector.extract %slice3A_707[0] : i32 from vector<1xi32>
        %shift_right_arithmetic3A_709 = arith.constant 7 : i32
        %shift_right_arithmetic3A_710 = arith.shrsi %squeeze3A_708, %shift_right_arithmetic3A_709 : i32
        %shift_left3A_711 = arith.constant 7 : i32
        %shift_left3A_712 = arith.shli %shift_right_arithmetic3A_710, %shift_left3A_711 : i32
        %multiple_of3A_713 = tpu.assume_multiple %shift_left3A_712, 128 : i32
        %dma_start3A_714 = arith.constant 0 : i32
        %dma_start3A_715 = tpu.memref_slice %arg3[%dma_start3A_714, %multiple_of3A_713] : memref<33x1000000xf32, #tpu.memory_space<hbm>> -> memref<33x128xf32, #tpu.memory_space<hbm>>
        %dma_start3A_716 = arith.constant 0 : i32
        %dma_start3A_717 = tpu.memref_slice %arg3[%dma_start3A_716, %multiple_of3A_713] : memref<33x1000000xf32, #tpu.memory_space<hbm>> -> memref<33x128xf32, #tpu.memory_space<hbm>>
        tpu.enqueue_dma source(%dma_start3A_717 : memref<33x128xf32, #tpu.memory_space<hbm>>) target(%arg23 : memref<33x128xf32, #tpu.memory_space<vmem>>) target_semaphore(%arg39 : memref<!tpu.dma_semaphore, #tpu.memory_space<semaphore_mem>>)
      } else {
      }
      %mul3A_451 = arith.constant 8 : i32
      %mul3A_452 = arith.muli %scan3A_192, %mul3A_451 : i32
      %add3A_453 = arith.constant 4 : i32
      %add3A_454 = arith.addi %mul3A_452, %add3A_453 : i32
      %slice3A_455 = vector.extract_strided_slice %get3A_196 {offsets = [4], sizes = [1], strides = [1]} : vector<16xi32> to vector<1xi32>
      %squeeze3A_456 = vector.extract %slice3A_455[0] : i32 from vector<1xi32>
      %dma_wait3A_457 = arith.constant 0 : i32
      %dma_wait3A_458 = arith.constant 0 : i32
      %dma_wait3A_459 = tpu.memref_slice %arg2[%dma_wait3A_457, %dma_wait3A_458] : memref<33x1000000xf32, #tpu.memory_space<hbm>> -> memref<33x128xf32, #tpu.memory_space<hbm>>
      %dma_wait3A_460 = arith.constant 0 : i32
      %dma_wait3A_461 = arith.constant 0 : i32
      %dma_wait3A_462 = tpu.memref_slice %arg2[%dma_wait3A_460, %dma_wait3A_461] : memref<33x1000000xf32, #tpu.memory_space<hbm>> -> memref<33x128xf32, #tpu.memory_space<hbm>>
      tpu.wait_dma2 semaphore(%arg32 : memref<!tpu.dma_semaphore, #tpu.memory_space<semaphore_mem>>) src(%dma_wait3A_462 : memref<33x128xf32, #tpu.memory_space<hbm>>) dst(%arg16 : memref<33x128xf32, #tpu.memory_space<vmem>>)
      %mul3A_463 = arith.constant 0 : i32
      %mul3A_464 = vector.broadcast %mul3A_463 : i32 to vector<16xi32>
      %mul3A_465 = arith.muli %iota3A, %mul3A_464 : vector<16xi32>
      %and3A_466 = arith.constant 127 : i32
      %and3A_467 = arith.andi %squeeze3A_456, %and3A_466 : i32
      %add3A_468 = vector.broadcast %and3A_467 : i32 to vector<16xi32>
      %add3A_469 = arith.addi %mul3A_465, %add3A_468 : vector<16xi32>
      %gather3A_470 = tpu.vector_load_idx %arg16[%iota3A, %add3A_469] : memref<33x128xf32, #tpu.memory_space<vmem>>[vector<16xi32>, vector<16xi32>], vector<16xf32>,
      %gather3A_471 = tpu.vector_load_idx %arg16[%add3A_5, %add3A_469] : memref<33x128xf32, #tpu.memory_space<vmem>>[vector<16xi32>, vector<16xi32>], vector<16xf32>,
      %gather3A_472 = tpu.vector_load_idx %arg16[%add3A_11, %add3A_469] : memref<33x128xf32, #tpu.memory_space<vmem>>[vector<16xi32>, vector<16xi32>], vector<16xf32>,
      %mul3A_473 = arith.constant 0 : i32
      %mul3A_474 = vector.broadcast %mul3A_473 : i32 to vector<16xi32>
      %mul3A_475 = arith.muli %iota3A, %mul3A_474 : vector<16xi32>
      %add3A_476 = vector.broadcast %add3A_454 : i32 to vector<16xi32>
      %add3A_477 = arith.addi %mul3A_475, %add3A_476 : vector<16xi32>
      tpu.vector_store_idx %arg10[%iota3A, %add3A_477], %gather3A_470 : memref<33x512xf32, #tpu.memory_space<vmem>>[vector<16xi32>, vector<16xi32>], vector<16xf32>,
      tpu.vector_store_idx %arg10[%add3A_5, %add3A_477], %gather3A_471 : memref<33x512xf32, #tpu.memory_space<vmem>>[vector<16xi32>, vector<16xi32>], vector<16xf32>,
      tpu.vector_store_idx %arg10[%add3A_11, %add3A_477], %gather3A_472 masked %eq3A_13 : memref<33x512xf32, #tpu.memory_space<vmem>>[vector<16xi32>, vector<16xi32>], vector<16xf32>, vector<16xi1>
      %lt3A_478 = arith.constant 63 : i32
      %lt3A_479 = arith.cmpi slt, %scan3A_192, %lt3A_478 : i32
      %convert_element_type3A_480 = arith.extui %lt3A_479 : i1 to i32
      %cond3A_481 = arith.constant 0 : i32
      %cond3A_482 = arith.cmpi ne, %convert_element_type3A_480, %cond3A_481 : i32
      scf.if %cond3A_482 {
        %slice3A_707 = vector.extract_strided_slice %get3A_196 {offsets = [12], sizes = [1], strides = [1]} : vector<16xi32> to vector<1xi32>
        %squeeze3A_708 = vector.extract %slice3A_707[0] : i32 from vector<1xi32>
        %shift_right_arithmetic3A_709 = arith.constant 7 : i32
        %shift_right_arithmetic3A_710 = arith.shrsi %squeeze3A_708, %shift_right_arithmetic3A_709 : i32
        %shift_left3A_711 = arith.constant 7 : i32
        %shift_left3A_712 = arith.shli %shift_right_arithmetic3A_710, %shift_left3A_711 : i32
        %multiple_of3A_713 = tpu.assume_multiple %shift_left3A_712, 128 : i32
        %dma_start3A_714 = arith.constant 0 : i32
        %dma_start3A_715 = tpu.memref_slice %arg2[%dma_start3A_714, %multiple_of3A_713] : memref<33x1000000xf32, #tpu.memory_space<hbm>> -> memref<33x128xf32, #tpu.memory_space<hbm>>
        %dma_start3A_716 = arith.constant 0 : i32
        %dma_start3A_717 = tpu.memref_slice %arg2[%dma_start3A_716, %multiple_of3A_713] : memref<33x1000000xf32, #tpu.memory_space<hbm>> -> memref<33x128xf32, #tpu.memory_space<hbm>>
        tpu.enqueue_dma source(%dma_start3A_717 : memref<33x128xf32, #tpu.memory_space<hbm>>) target(%arg16 : memref<33x128xf32, #tpu.memory_space<vmem>>) target_semaphore(%arg32 : memref<!tpu.dma_semaphore, #tpu.memory_space<semaphore_mem>>)
      } else {
      }
      %mul3A_483 = arith.constant 8 : i32
      %mul3A_484 = arith.muli %scan3A_192, %mul3A_483 : i32
      %add3A_485 = arith.constant 4 : i32
      %add3A_486 = arith.addi %mul3A_484, %add3A_485 : i32
      %slice3A_487 = vector.extract_strided_slice %get3A_200 {offsets = [4], sizes = [1], strides = [1]} : vector<16xi32> to vector<1xi32>
      %squeeze3A_488 = vector.extract %slice3A_487[0] : i32 from vector<1xi32>
      %dma_wait3A_489 = arith.constant 0 : i32
      %dma_wait3A_490 = arith.constant 0 : i32
      %dma_wait3A_491 = tpu.memref_slice %arg3[%dma_wait3A_489, %dma_wait3A_490] : memref<33x1000000xf32, #tpu.memory_space<hbm>> -> memref<33x128xf32, #tpu.memory_space<hbm>>
      %dma_wait3A_492 = arith.constant 0 : i32
      %dma_wait3A_493 = arith.constant 0 : i32
      %dma_wait3A_494 = tpu.memref_slice %arg3[%dma_wait3A_492, %dma_wait3A_493] : memref<33x1000000xf32, #tpu.memory_space<hbm>> -> memref<33x128xf32, #tpu.memory_space<hbm>>
      tpu.wait_dma2 semaphore(%arg40 : memref<!tpu.dma_semaphore, #tpu.memory_space<semaphore_mem>>) src(%dma_wait3A_494 : memref<33x128xf32, #tpu.memory_space<hbm>>) dst(%arg24 : memref<33x128xf32, #tpu.memory_space<vmem>>)
      %mul3A_495 = arith.constant 0 : i32
      %mul3A_496 = vector.broadcast %mul3A_495 : i32 to vector<16xi32>
      %mul3A_497 = arith.muli %iota3A, %mul3A_496 : vector<16xi32>
      %and3A_498 = arith.constant 127 : i32
      %and3A_499 = arith.andi %squeeze3A_488, %and3A_498 : i32
      %add3A_500 = vector.broadcast %and3A_499 : i32 to vector<16xi32>
      %add3A_501 = arith.addi %mul3A_497, %add3A_500 : vector<16xi32>
      %gather3A_502 = tpu.vector_load_idx %arg24[%iota3A, %add3A_501] : memref<33x128xf32, #tpu.memory_space<vmem>>[vector<16xi32>, vector<16xi32>], vector<16xf32>,
      %gather3A_503 = tpu.vector_load_idx %arg24[%add3A_5, %add3A_501] : memref<33x128xf32, #tpu.memory_space<vmem>>[vector<16xi32>, vector<16xi32>], vector<16xf32>,
      %gather3A_504 = tpu.vector_load_idx %arg24[%add3A_11, %add3A_501] : memref<33x128xf32, #tpu.memory_space<vmem>>[vector<16xi32>, vector<16xi32>], vector<16xf32>,
      %mul3A_505 = arith.constant 0 : i32
      %mul3A_506 = vector.broadcast %mul3A_505 : i32 to vector<16xi32>
      %mul3A_507 = arith.muli %iota3A, %mul3A_506 : vector<16xi32>
      %add3A_508 = vector.broadcast %add3A_486 : i32 to vector<16xi32>
      %add3A_509 = arith.addi %mul3A_507, %add3A_508 : vector<16xi32>
      tpu.vector_store_idx %arg11[%iota3A, %add3A_509], %gather3A_502 : memref<33x512xf32, #tpu.memory_space<vmem>>[vector<16xi32>, vector<16xi32>], vector<16xf32>,
      tpu.vector_store_idx %arg11[%add3A_5, %add3A_509], %gather3A_503 : memref<33x512xf32, #tpu.memory_space<vmem>>[vector<16xi32>, vector<16xi32>], vector<16xf32>,
      tpu.vector_store_idx %arg11[%add3A_11, %add3A_509], %gather3A_504 masked %eq3A_13 : memref<33x512xf32, #tpu.memory_space<vmem>>[vector<16xi32>, vector<16xi32>], vector<16xf32>, vector<16xi1>
      %lt3A_510 = arith.constant 63 : i32
      %lt3A_511 = arith.cmpi slt, %scan3A_192, %lt3A_510 : i32
      %convert_element_type3A_512 = arith.extui %lt3A_511 : i1 to i32
      %cond3A_513 = arith.constant 0 : i32
      %cond3A_514 = arith.cmpi ne, %convert_element_type3A_512, %cond3A_513 : i32
      scf.if %cond3A_514 {
        %slice3A_707 = vector.extract_strided_slice %get3A_200 {offsets = [12], sizes = [1], strides = [1]} : vector<16xi32> to vector<1xi32>
        %squeeze3A_708 = vector.extract %slice3A_707[0] : i32 from vector<1xi32>
        %shift_right_arithmetic3A_709 = arith.constant 7 : i32
        %shift_right_arithmetic3A_710 = arith.shrsi %squeeze3A_708, %shift_right_arithmetic3A_709 : i32
        %shift_left3A_711 = arith.constant 7 : i32
        %shift_left3A_712 = arith.shli %shift_right_arithmetic3A_710, %shift_left3A_711 : i32
        %multiple_of3A_713 = tpu.assume_multiple %shift_left3A_712, 128 : i32
        %dma_start3A_714 = arith.constant 0 : i32
        %dma_start3A_715 = tpu.memref_slice %arg3[%dma_start3A_714, %multiple_of3A_713] : memref<33x1000000xf32, #tpu.memory_space<hbm>> -> memref<33x128xf32, #tpu.memory_space<hbm>>
        %dma_start3A_716 = arith.constant 0 : i32
        %dma_start3A_717 = tpu.memref_slice %arg3[%dma_start3A_716, %multiple_of3A_713] : memref<33x1000000xf32, #tpu.memory_space<hbm>> -> memref<33x128xf32, #tpu.memory_space<hbm>>
        tpu.enqueue_dma source(%dma_start3A_717 : memref<33x128xf32, #tpu.memory_space<hbm>>) target(%arg24 : memref<33x128xf32, #tpu.memory_space<vmem>>) target_semaphore(%arg40 : memref<!tpu.dma_semaphore, #tpu.memory_space<semaphore_mem>>)
      } else {
      }
      %mul3A_515 = arith.constant 8 : i32
      %mul3A_516 = arith.muli %scan3A_192, %mul3A_515 : i32
      %add3A_517 = arith.constant 5 : i32
      %add3A_518 = arith.addi %mul3A_516, %add3A_517 : i32
      %slice3A_519 = vector.extract_strided_slice %get3A_196 {offsets = [5], sizes = [1], strides = [1]} : vector<16xi32> to vector<1xi32>
      %squeeze3A_520 = vector.extract %slice3A_519[0] : i32 from vector<1xi32>
      %dma_wait3A_521 = arith.constant 0 : i32
      %dma_wait3A_522 = arith.constant 0 : i32
      %dma_wait3A_523 = tpu.memref_slice %arg2[%dma_wait3A_521, %dma_wait3A_522] : memref<33x1000000xf32, #tpu.memory_space<hbm>> -> memref<33x128xf32, #tpu.memory_space<hbm>>
      %dma_wait3A_524 = arith.constant 0 : i32
      %dma_wait3A_525 = arith.constant 0 : i32
      %dma_wait3A_526 = tpu.memref_slice %arg2[%dma_wait3A_524, %dma_wait3A_525] : memref<33x1000000xf32, #tpu.memory_space<hbm>> -> memref<33x128xf32, #tpu.memory_space<hbm>>
      tpu.wait_dma2 semaphore(%arg33 : memref<!tpu.dma_semaphore, #tpu.memory_space<semaphore_mem>>) src(%dma_wait3A_526 : memref<33x128xf32, #tpu.memory_space<hbm>>) dst(%arg17 : memref<33x128xf32, #tpu.memory_space<vmem>>)
      %mul3A_527 = arith.constant 0 : i32
      %mul3A_528 = vector.broadcast %mul3A_527 : i32 to vector<16xi32>
      %mul3A_529 = arith.muli %iota3A, %mul3A_528 : vector<16xi32>
      %and3A_530 = arith.constant 127 : i32
      %and3A_531 = arith.andi %squeeze3A_520, %and3A_530 : i32
      %add3A_532 = vector.broadcast %and3A_531 : i32 to vector<16xi32>
      %add3A_533 = arith.addi %mul3A_529, %add3A_532 : vector<16xi32>
      %gather3A_534 = tpu.vector_load_idx %arg17[%iota3A, %add3A_533] : memref<33x128xf32, #tpu.memory_space<vmem>>[vector<16xi32>, vector<16xi32>], vector<16xf32>,
      %gather3A_535 = tpu.vector_load_idx %arg17[%add3A_5, %add3A_533] : memref<33x128xf32, #tpu.memory_space<vmem>>[vector<16xi32>, vector<16xi32>], vector<16xf32>,
      %gather3A_536 = tpu.vector_load_idx %arg17[%add3A_11, %add3A_533] : memref<33x128xf32, #tpu.memory_space<vmem>>[vector<16xi32>, vector<16xi32>], vector<16xf32>,
      %mul3A_537 = arith.constant 0 : i32
      %mul3A_538 = vector.broadcast %mul3A_537 : i32 to vector<16xi32>
      %mul3A_539 = arith.muli %iota3A, %mul3A_538 : vector<16xi32>
      %add3A_540 = vector.broadcast %add3A_518 : i32 to vector<16xi32>
      %add3A_541 = arith.addi %mul3A_539, %add3A_540 : vector<16xi32>
      tpu.vector_store_idx %arg10[%iota3A, %add3A_541], %gather3A_534 : memref<33x512xf32, #tpu.memory_space<vmem>>[vector<16xi32>, vector<16xi32>], vector<16xf32>,
      tpu.vector_store_idx %arg10[%add3A_5, %add3A_541], %gather3A_535 : memref<33x512xf32, #tpu.memory_space<vmem>>[vector<16xi32>, vector<16xi32>], vector<16xf32>,
      tpu.vector_store_idx %arg10[%add3A_11, %add3A_541], %gather3A_536 masked %eq3A_13 : memref<33x512xf32, #tpu.memory_space<vmem>>[vector<16xi32>, vector<16xi32>], vector<16xf32>, vector<16xi1>
      %lt3A_542 = arith.constant 63 : i32
      %lt3A_543 = arith.cmpi slt, %scan3A_192, %lt3A_542 : i32
      %convert_element_type3A_544 = arith.extui %lt3A_543 : i1 to i32
      %cond3A_545 = arith.constant 0 : i32
      %cond3A_546 = arith.cmpi ne, %convert_element_type3A_544, %cond3A_545 : i32
      scf.if %cond3A_546 {
        %slice3A_707 = vector.extract_strided_slice %get3A_196 {offsets = [13], sizes = [1], strides = [1]} : vector<16xi32> to vector<1xi32>
        %squeeze3A_708 = vector.extract %slice3A_707[0] : i32 from vector<1xi32>
        %shift_right_arithmetic3A_709 = arith.constant 7 : i32
        %shift_right_arithmetic3A_710 = arith.shrsi %squeeze3A_708, %shift_right_arithmetic3A_709 : i32
        %shift_left3A_711 = arith.constant 7 : i32
        %shift_left3A_712 = arith.shli %shift_right_arithmetic3A_710, %shift_left3A_711 : i32
        %multiple_of3A_713 = tpu.assume_multiple %shift_left3A_712, 128 : i32
        %dma_start3A_714 = arith.constant 0 : i32
        %dma_start3A_715 = tpu.memref_slice %arg2[%dma_start3A_714, %multiple_of3A_713] : memref<33x1000000xf32, #tpu.memory_space<hbm>> -> memref<33x128xf32, #tpu.memory_space<hbm>>
        %dma_start3A_716 = arith.constant 0 : i32
        %dma_start3A_717 = tpu.memref_slice %arg2[%dma_start3A_716, %multiple_of3A_713] : memref<33x1000000xf32, #tpu.memory_space<hbm>> -> memref<33x128xf32, #tpu.memory_space<hbm>>
        tpu.enqueue_dma source(%dma_start3A_717 : memref<33x128xf32, #tpu.memory_space<hbm>>) target(%arg17 : memref<33x128xf32, #tpu.memory_space<vmem>>) target_semaphore(%arg33 : memref<!tpu.dma_semaphore, #tpu.memory_space<semaphore_mem>>)
      } else {
      }
      %mul3A_547 = arith.constant 8 : i32
      %mul3A_548 = arith.muli %scan3A_192, %mul3A_547 : i32
      %add3A_549 = arith.constant 5 : i32
      %add3A_550 = arith.addi %mul3A_548, %add3A_549 : i32
      %slice3A_551 = vector.extract_strided_slice %get3A_200 {offsets = [5], sizes = [1], strides = [1]} : vector<16xi32> to vector<1xi32>
      %squeeze3A_552 = vector.extract %slice3A_551[0] : i32 from vector<1xi32>
      %dma_wait3A_553 = arith.constant 0 : i32
      %dma_wait3A_554 = arith.constant 0 : i32
      %dma_wait3A_555 = tpu.memref_slice %arg3[%dma_wait3A_553, %dma_wait3A_554] : memref<33x1000000xf32, #tpu.memory_space<hbm>> -> memref<33x128xf32, #tpu.memory_space<hbm>>
      %dma_wait3A_556 = arith.constant 0 : i32
      %dma_wait3A_557 = arith.constant 0 : i32
      %dma_wait3A_558 = tpu.memref_slice %arg3[%dma_wait3A_556, %dma_wait3A_557] : memref<33x1000000xf32, #tpu.memory_space<hbm>> -> memref<33x128xf32, #tpu.memory_space<hbm>>
      tpu.wait_dma2 semaphore(%arg41 : memref<!tpu.dma_semaphore, #tpu.memory_space<semaphore_mem>>) src(%dma_wait3A_558 : memref<33x128xf32, #tpu.memory_space<hbm>>) dst(%arg25 : memref<33x128xf32, #tpu.memory_space<vmem>>)
      %mul3A_559 = arith.constant 0 : i32
      %mul3A_560 = vector.broadcast %mul3A_559 : i32 to vector<16xi32>
      %mul3A_561 = arith.muli %iota3A, %mul3A_560 : vector<16xi32>
      %and3A_562 = arith.constant 127 : i32
      %and3A_563 = arith.andi %squeeze3A_552, %and3A_562 : i32
      %add3A_564 = vector.broadcast %and3A_563 : i32 to vector<16xi32>
      %add3A_565 = arith.addi %mul3A_561, %add3A_564 : vector<16xi32>
      %gather3A_566 = tpu.vector_load_idx %arg25[%iota3A, %add3A_565] : memref<33x128xf32, #tpu.memory_space<vmem>>[vector<16xi32>, vector<16xi32>], vector<16xf32>,
      %gather3A_567 = tpu.vector_load_idx %arg25[%add3A_5, %add3A_565] : memref<33x128xf32, #tpu.memory_space<vmem>>[vector<16xi32>, vector<16xi32>], vector<16xf32>,
      %gather3A_568 = tpu.vector_load_idx %arg25[%add3A_11, %add3A_565] : memref<33x128xf32, #tpu.memory_space<vmem>>[vector<16xi32>, vector<16xi32>], vector<16xf32>,
      %mul3A_569 = arith.constant 0 : i32
      %mul3A_570 = vector.broadcast %mul3A_569 : i32 to vector<16xi32>
      %mul3A_571 = arith.muli %iota3A, %mul3A_570 : vector<16xi32>
      %add3A_572 = vector.broadcast %add3A_550 : i32 to vector<16xi32>
      %add3A_573 = arith.addi %mul3A_571, %add3A_572 : vector<16xi32>
      tpu.vector_store_idx %arg11[%iota3A, %add3A_573], %gather3A_566 : memref<33x512xf32, #tpu.memory_space<vmem>>[vector<16xi32>, vector<16xi32>], vector<16xf32>,
      tpu.vector_store_idx %arg11[%add3A_5, %add3A_573], %gather3A_567 : memref<33x512xf32, #tpu.memory_space<vmem>>[vector<16xi32>, vector<16xi32>], vector<16xf32>,
      tpu.vector_store_idx %arg11[%add3A_11, %add3A_573], %gather3A_568 masked %eq3A_13 : memref<33x512xf32, #tpu.memory_space<vmem>>[vector<16xi32>, vector<16xi32>], vector<16xf32>, vector<16xi1>
      %lt3A_574 = arith.constant 63 : i32
      %lt3A_575 = arith.cmpi slt, %scan3A_192, %lt3A_574 : i32
      %convert_element_type3A_576 = arith.extui %lt3A_575 : i1 to i32
      %cond3A_577 = arith.constant 0 : i32
      %cond3A_578 = arith.cmpi ne, %convert_element_type3A_576, %cond3A_577 : i32
      scf.if %cond3A_578 {
        %slice3A_707 = vector.extract_strided_slice %get3A_200 {offsets = [13], sizes = [1], strides = [1]} : vector<16xi32> to vector<1xi32>
        %squeeze3A_708 = vector.extract %slice3A_707[0] : i32 from vector<1xi32>
        %shift_right_arithmetic3A_709 = arith.constant 7 : i32
        %shift_right_arithmetic3A_710 = arith.shrsi %squeeze3A_708, %shift_right_arithmetic3A_709 : i32
        %shift_left3A_711 = arith.constant 7 : i32
        %shift_left3A_712 = arith.shli %shift_right_arithmetic3A_710, %shift_left3A_711 : i32
        %multiple_of3A_713 = tpu.assume_multiple %shift_left3A_712, 128 : i32
        %dma_start3A_714 = arith.constant 0 : i32
        %dma_start3A_715 = tpu.memref_slice %arg3[%dma_start3A_714, %multiple_of3A_713] : memref<33x1000000xf32, #tpu.memory_space<hbm>> -> memref<33x128xf32, #tpu.memory_space<hbm>>
        %dma_start3A_716 = arith.constant 0 : i32
        %dma_start3A_717 = tpu.memref_slice %arg3[%dma_start3A_716, %multiple_of3A_713] : memref<33x1000000xf32, #tpu.memory_space<hbm>> -> memref<33x128xf32, #tpu.memory_space<hbm>>
        tpu.enqueue_dma source(%dma_start3A_717 : memref<33x128xf32, #tpu.memory_space<hbm>>) target(%arg25 : memref<33x128xf32, #tpu.memory_space<vmem>>) target_semaphore(%arg41 : memref<!tpu.dma_semaphore, #tpu.memory_space<semaphore_mem>>)
      } else {
      }
      %mul3A_579 = arith.constant 8 : i32
      %mul3A_580 = arith.muli %scan3A_192, %mul3A_579 : i32
      %add3A_581 = arith.constant 6 : i32
      %add3A_582 = arith.addi %mul3A_580, %add3A_581 : i32
      %slice3A_583 = vector.extract_strided_slice %get3A_196 {offsets = [6], sizes = [1], strides = [1]} : vector<16xi32> to vector<1xi32>
      %squeeze3A_584 = vector.extract %slice3A_583[0] : i32 from vector<1xi32>
      %dma_wait3A_585 = arith.constant 0 : i32
      %dma_wait3A_586 = arith.constant 0 : i32
      %dma_wait3A_587 = tpu.memref_slice %arg2[%dma_wait3A_585, %dma_wait3A_586] : memref<33x1000000xf32, #tpu.memory_space<hbm>> -> memref<33x128xf32, #tpu.memory_space<hbm>>
      %dma_wait3A_588 = arith.constant 0 : i32
      %dma_wait3A_589 = arith.constant 0 : i32
      %dma_wait3A_590 = tpu.memref_slice %arg2[%dma_wait3A_588, %dma_wait3A_589] : memref<33x1000000xf32, #tpu.memory_space<hbm>> -> memref<33x128xf32, #tpu.memory_space<hbm>>
      tpu.wait_dma2 semaphore(%arg34 : memref<!tpu.dma_semaphore, #tpu.memory_space<semaphore_mem>>) src(%dma_wait3A_590 : memref<33x128xf32, #tpu.memory_space<hbm>>) dst(%arg18 : memref<33x128xf32, #tpu.memory_space<vmem>>)
      %mul3A_591 = arith.constant 0 : i32
      %mul3A_592 = vector.broadcast %mul3A_591 : i32 to vector<16xi32>
      %mul3A_593 = arith.muli %iota3A, %mul3A_592 : vector<16xi32>
      %and3A_594 = arith.constant 127 : i32
      %and3A_595 = arith.andi %squeeze3A_584, %and3A_594 : i32
      %add3A_596 = vector.broadcast %and3A_595 : i32 to vector<16xi32>
      %add3A_597 = arith.addi %mul3A_593, %add3A_596 : vector<16xi32>
      %gather3A_598 = tpu.vector_load_idx %arg18[%iota3A, %add3A_597] : memref<33x128xf32, #tpu.memory_space<vmem>>[vector<16xi32>, vector<16xi32>], vector<16xf32>,
      %gather3A_599 = tpu.vector_load_idx %arg18[%add3A_5, %add3A_597] : memref<33x128xf32, #tpu.memory_space<vmem>>[vector<16xi32>, vector<16xi32>], vector<16xf32>,
      %gather3A_600 = tpu.vector_load_idx %arg18[%add3A_11, %add3A_597] : memref<33x128xf32, #tpu.memory_space<vmem>>[vector<16xi32>, vector<16xi32>], vector<16xf32>,
      %mul3A_601 = arith.constant 0 : i32
      %mul3A_602 = vector.broadcast %mul3A_601 : i32 to vector<16xi32>
      %mul3A_603 = arith.muli %iota3A, %mul3A_602 : vector<16xi32>
      %add3A_604 = vector.broadcast %add3A_582 : i32 to vector<16xi32>
      %add3A_605 = arith.addi %mul3A_603, %add3A_604 : vector<16xi32>
      tpu.vector_store_idx %arg10[%iota3A, %add3A_605], %gather3A_598 : memref<33x512xf32, #tpu.memory_space<vmem>>[vector<16xi32>, vector<16xi32>], vector<16xf32>,
      tpu.vector_store_idx %arg10[%add3A_5, %add3A_605], %gather3A_599 : memref<33x512xf32, #tpu.memory_space<vmem>>[vector<16xi32>, vector<16xi32>], vector<16xf32>,
      tpu.vector_store_idx %arg10[%add3A_11, %add3A_605], %gather3A_600 masked %eq3A_13 : memref<33x512xf32, #tpu.memory_space<vmem>>[vector<16xi32>, vector<16xi32>], vector<16xf32>, vector<16xi1>
      %lt3A_606 = arith.constant 63 : i32
      %lt3A_607 = arith.cmpi slt, %scan3A_192, %lt3A_606 : i32
      %convert_element_type3A_608 = arith.extui %lt3A_607 : i1 to i32
      %cond3A_609 = arith.constant 0 : i32
      %cond3A_610 = arith.cmpi ne, %convert_element_type3A_608, %cond3A_609 : i32
      scf.if %cond3A_610 {
        %slice3A_707 = vector.extract_strided_slice %get3A_196 {offsets = [14], sizes = [1], strides = [1]} : vector<16xi32> to vector<1xi32>
        %squeeze3A_708 = vector.extract %slice3A_707[0] : i32 from vector<1xi32>
        %shift_right_arithmetic3A_709 = arith.constant 7 : i32
        %shift_right_arithmetic3A_710 = arith.shrsi %squeeze3A_708, %shift_right_arithmetic3A_709 : i32
        %shift_left3A_711 = arith.constant 7 : i32
        %shift_left3A_712 = arith.shli %shift_right_arithmetic3A_710, %shift_left3A_711 : i32
        %multiple_of3A_713 = tpu.assume_multiple %shift_left3A_712, 128 : i32
        %dma_start3A_714 = arith.constant 0 : i32
        %dma_start3A_715 = tpu.memref_slice %arg2[%dma_start3A_714, %multiple_of3A_713] : memref<33x1000000xf32, #tpu.memory_space<hbm>> -> memref<33x128xf32, #tpu.memory_space<hbm>>
        %dma_start3A_716 = arith.constant 0 : i32
        %dma_start3A_717 = tpu.memref_slice %arg2[%dma_start3A_716, %multiple_of3A_713] : memref<33x1000000xf32, #tpu.memory_space<hbm>> -> memref<33x128xf32, #tpu.memory_space<hbm>>
        tpu.enqueue_dma source(%dma_start3A_717 : memref<33x128xf32, #tpu.memory_space<hbm>>) target(%arg18 : memref<33x128xf32, #tpu.memory_space<vmem>>) target_semaphore(%arg34 : memref<!tpu.dma_semaphore, #tpu.memory_space<semaphore_mem>>)
      } else {
      }
      %mul3A_611 = arith.constant 8 : i32
      %mul3A_612 = arith.muli %scan3A_192, %mul3A_611 : i32
      %add3A_613 = arith.constant 6 : i32
      %add3A_614 = arith.addi %mul3A_612, %add3A_613 : i32
      %slice3A_615 = vector.extract_strided_slice %get3A_200 {offsets = [6], sizes = [1], strides = [1]} : vector<16xi32> to vector<1xi32>
      %squeeze3A_616 = vector.extract %slice3A_615[0] : i32 from vector<1xi32>
      %dma_wait3A_617 = arith.constant 0 : i32
      %dma_wait3A_618 = arith.constant 0 : i32
      %dma_wait3A_619 = tpu.memref_slice %arg3[%dma_wait3A_617, %dma_wait3A_618] : memref<33x1000000xf32, #tpu.memory_space<hbm>> -> memref<33x128xf32, #tpu.memory_space<hbm>>
      %dma_wait3A_620 = arith.constant 0 : i32
      %dma_wait3A_621 = arith.constant 0 : i32
      %dma_wait3A_622 = tpu.memref_slice %arg3[%dma_wait3A_620, %dma_wait3A_621] : memref<33x1000000xf32, #tpu.memory_space<hbm>> -> memref<33x128xf32, #tpu.memory_space<hbm>>
      tpu.wait_dma2 semaphore(%arg42 : memref<!tpu.dma_semaphore, #tpu.memory_space<semaphore_mem>>) src(%dma_wait3A_622 : memref<33x128xf32, #tpu.memory_space<hbm>>) dst(%arg26 : memref<33x128xf32, #tpu.memory_space<vmem>>)
      %mul3A_623 = arith.constant 0 : i32
      %mul3A_624 = vector.broadcast %mul3A_623 : i32 to vector<16xi32>
      %mul3A_625 = arith.muli %iota3A, %mul3A_624 : vector<16xi32>
      %and3A_626 = arith.constant 127 : i32
      %and3A_627 = arith.andi %squeeze3A_616, %and3A_626 : i32
      %add3A_628 = vector.broadcast %and3A_627 : i32 to vector<16xi32>
      %add3A_629 = arith.addi %mul3A_625, %add3A_628 : vector<16xi32>
      %gather3A_630 = tpu.vector_load_idx %arg26[%iota3A, %add3A_629] : memref<33x128xf32, #tpu.memory_space<vmem>>[vector<16xi32>, vector<16xi32>], vector<16xf32>,
      %gather3A_631 = tpu.vector_load_idx %arg26[%add3A_5, %add3A_629] : memref<33x128xf32, #tpu.memory_space<vmem>>[vector<16xi32>, vector<16xi32>], vector<16xf32>,
      %gather3A_632 = tpu.vector_load_idx %arg26[%add3A_11, %add3A_629] : memref<33x128xf32, #tpu.memory_space<vmem>>[vector<16xi32>, vector<16xi32>], vector<16xf32>,
      %mul3A_633 = arith.constant 0 : i32
      %mul3A_634 = vector.broadcast %mul3A_633 : i32 to vector<16xi32>
      %mul3A_635 = arith.muli %iota3A, %mul3A_634 : vector<16xi32>
      %add3A_636 = vector.broadcast %add3A_614 : i32 to vector<16xi32>
      %add3A_637 = arith.addi %mul3A_635, %add3A_636 : vector<16xi32>
      tpu.vector_store_idx %arg11[%iota3A, %add3A_637], %gather3A_630 : memref<33x512xf32, #tpu.memory_space<vmem>>[vector<16xi32>, vector<16xi32>], vector<16xf32>,
      tpu.vector_store_idx %arg11[%add3A_5, %add3A_637], %gather3A_631 : memref<33x512xf32, #tpu.memory_space<vmem>>[vector<16xi32>, vector<16xi32>], vector<16xf32>,
      tpu.vector_store_idx %arg11[%add3A_11, %add3A_637], %gather3A_632 masked %eq3A_13 : memref<33x512xf32, #tpu.memory_space<vmem>>[vector<16xi32>, vector<16xi32>], vector<16xf32>, vector<16xi1>
      %lt3A_638 = arith.constant 63 : i32
      %lt3A_639 = arith.cmpi slt, %scan3A_192, %lt3A_638 : i32
      %convert_element_type3A_640 = arith.extui %lt3A_639 : i1 to i32
      %cond3A_641 = arith.constant 0 : i32
      %cond3A_642 = arith.cmpi ne, %convert_element_type3A_640, %cond3A_641 : i32
      scf.if %cond3A_642 {
        %slice3A_707 = vector.extract_strided_slice %get3A_200 {offsets = [14], sizes = [1], strides = [1]} : vector<16xi32> to vector<1xi32>
        %squeeze3A_708 = vector.extract %slice3A_707[0] : i32 from vector<1xi32>
        %shift_right_arithmetic3A_709 = arith.constant 7 : i32
        %shift_right_arithmetic3A_710 = arith.shrsi %squeeze3A_708, %shift_right_arithmetic3A_709 : i32
        %shift_left3A_711 = arith.constant 7 : i32
        %shift_left3A_712 = arith.shli %shift_right_arithmetic3A_710, %shift_left3A_711 : i32
        %multiple_of3A_713 = tpu.assume_multiple %shift_left3A_712, 128 : i32
        %dma_start3A_714 = arith.constant 0 : i32
        %dma_start3A_715 = tpu.memref_slice %arg3[%dma_start3A_714, %multiple_of3A_713] : memref<33x1000000xf32, #tpu.memory_space<hbm>> -> memref<33x128xf32, #tpu.memory_space<hbm>>
        %dma_start3A_716 = arith.constant 0 : i32
        %dma_start3A_717 = tpu.memref_slice %arg3[%dma_start3A_716, %multiple_of3A_713] : memref<33x1000000xf32, #tpu.memory_space<hbm>> -> memref<33x128xf32, #tpu.memory_space<hbm>>
        tpu.enqueue_dma source(%dma_start3A_717 : memref<33x128xf32, #tpu.memory_space<hbm>>) target(%arg26 : memref<33x128xf32, #tpu.memory_space<vmem>>) target_semaphore(%arg42 : memref<!tpu.dma_semaphore, #tpu.memory_space<semaphore_mem>>)
      } else {
      }
      %mul3A_643 = arith.constant 8 : i32
      %mul3A_644 = arith.muli %scan3A_192, %mul3A_643 : i32
      %add3A_645 = arith.constant 7 : i32
      %add3A_646 = arith.addi %mul3A_644, %add3A_645 : i32
      %slice3A_647 = vector.extract_strided_slice %get3A_196 {offsets = [7], sizes = [1], strides = [1]} : vector<16xi32> to vector<1xi32>
      %squeeze3A_648 = vector.extract %slice3A_647[0] : i32 from vector<1xi32>
      %dma_wait3A_649 = arith.constant 0 : i32
      %dma_wait3A_650 = arith.constant 0 : i32
      %dma_wait3A_651 = tpu.memref_slice %arg2[%dma_wait3A_649, %dma_wait3A_650] : memref<33x1000000xf32, #tpu.memory_space<hbm>> -> memref<33x128xf32, #tpu.memory_space<hbm>>
      %dma_wait3A_652 = arith.constant 0 : i32
      %dma_wait3A_653 = arith.constant 0 : i32
      %dma_wait3A_654 = tpu.memref_slice %arg2[%dma_wait3A_652, %dma_wait3A_653] : memref<33x1000000xf32, #tpu.memory_space<hbm>> -> memref<33x128xf32, #tpu.memory_space<hbm>>
      tpu.wait_dma2 semaphore(%arg35 : memref<!tpu.dma_semaphore, #tpu.memory_space<semaphore_mem>>) src(%dma_wait3A_654 : memref<33x128xf32, #tpu.memory_space<hbm>>) dst(%arg19 : memref<33x128xf32, #tpu.memory_space<vmem>>)
      %mul3A_655 = arith.constant 0 : i32
      %mul3A_656 = vector.broadcast %mul3A_655 : i32 to vector<16xi32>
      %mul3A_657 = arith.muli %iota3A, %mul3A_656 : vector<16xi32>
      %and3A_658 = arith.constant 127 : i32
      %and3A_659 = arith.andi %squeeze3A_648, %and3A_658 : i32
      %add3A_660 = vector.broadcast %and3A_659 : i32 to vector<16xi32>
      %add3A_661 = arith.addi %mul3A_657, %add3A_660 : vector<16xi32>
      %gather3A_662 = tpu.vector_load_idx %arg19[%iota3A, %add3A_661] : memref<33x128xf32, #tpu.memory_space<vmem>>[vector<16xi32>, vector<16xi32>], vector<16xf32>,
      %gather3A_663 = tpu.vector_load_idx %arg19[%add3A_5, %add3A_661] : memref<33x128xf32, #tpu.memory_space<vmem>>[vector<16xi32>, vector<16xi32>], vector<16xf32>,
      %gather3A_664 = tpu.vector_load_idx %arg19[%add3A_11, %add3A_661] : memref<33x128xf32, #tpu.memory_space<vmem>>[vector<16xi32>, vector<16xi32>], vector<16xf32>,
      %mul3A_665 = arith.constant 0 : i32
      %mul3A_666 = vector.broadcast %mul3A_665 : i32 to vector<16xi32>
      %mul3A_667 = arith.muli %iota3A, %mul3A_666 : vector<16xi32>
      %add3A_668 = vector.broadcast %add3A_646 : i32 to vector<16xi32>
      %add3A_669 = arith.addi %mul3A_667, %add3A_668 : vector<16xi32>
      tpu.vector_store_idx %arg10[%iota3A, %add3A_669], %gather3A_662 : memref<33x512xf32, #tpu.memory_space<vmem>>[vector<16xi32>, vector<16xi32>], vector<16xf32>,
      tpu.vector_store_idx %arg10[%add3A_5, %add3A_669], %gather3A_663 : memref<33x512xf32, #tpu.memory_space<vmem>>[vector<16xi32>, vector<16xi32>], vector<16xf32>,
      tpu.vector_store_idx %arg10[%add3A_11, %add3A_669], %gather3A_664 masked %eq3A_13 : memref<33x512xf32, #tpu.memory_space<vmem>>[vector<16xi32>, vector<16xi32>], vector<16xf32>, vector<16xi1>
      %lt3A_670 = arith.constant 63 : i32
      %lt3A_671 = arith.cmpi slt, %scan3A_192, %lt3A_670 : i32
      %convert_element_type3A_672 = arith.extui %lt3A_671 : i1 to i32
      %cond3A_673 = arith.constant 0 : i32
      %cond3A_674 = arith.cmpi ne, %convert_element_type3A_672, %cond3A_673 : i32
      scf.if %cond3A_674 {
        %slice3A_707 = vector.extract_strided_slice %get3A_196 {offsets = [15], sizes = [1], strides = [1]} : vector<16xi32> to vector<1xi32>
        %squeeze3A_708 = vector.extract %slice3A_707[0] : i32 from vector<1xi32>
        %shift_right_arithmetic3A_709 = arith.constant 7 : i32
        %shift_right_arithmetic3A_710 = arith.shrsi %squeeze3A_708, %shift_right_arithmetic3A_709 : i32
        %shift_left3A_711 = arith.constant 7 : i32
        %shift_left3A_712 = arith.shli %shift_right_arithmetic3A_710, %shift_left3A_711 : i32
        %multiple_of3A_713 = tpu.assume_multiple %shift_left3A_712, 128 : i32
        %dma_start3A_714 = arith.constant 0 : i32
        %dma_start3A_715 = tpu.memref_slice %arg2[%dma_start3A_714, %multiple_of3A_713] : memref<33x1000000xf32, #tpu.memory_space<hbm>> -> memref<33x128xf32, #tpu.memory_space<hbm>>
        %dma_start3A_716 = arith.constant 0 : i32
        %dma_start3A_717 = tpu.memref_slice %arg2[%dma_start3A_716, %multiple_of3A_713] : memref<33x1000000xf32, #tpu.memory_space<hbm>> -> memref<33x128xf32, #tpu.memory_space<hbm>>
        tpu.enqueue_dma source(%dma_start3A_717 : memref<33x128xf32, #tpu.memory_space<hbm>>) target(%arg19 : memref<33x128xf32, #tpu.memory_space<vmem>>) target_semaphore(%arg35 : memref<!tpu.dma_semaphore, #tpu.memory_space<semaphore_mem>>)
      } else {
      }
      %mul3A_675 = arith.constant 8 : i32
      %mul3A_676 = arith.muli %scan3A_192, %mul3A_675 : i32
      %add3A_677 = arith.constant 7 : i32
      %add3A_678 = arith.addi %mul3A_676, %add3A_677 : i32
      %slice3A_679 = vector.extract_strided_slice %get3A_200 {offsets = [7], sizes = [1], strides = [1]} : vector<16xi32> to vector<1xi32>
      %squeeze3A_680 = vector.extract %slice3A_679[0] : i32 from vector<1xi32>
      %dma_wait3A_681 = arith.constant 0 : i32
      %dma_wait3A_682 = arith.constant 0 : i32
      %dma_wait3A_683 = tpu.memref_slice %arg3[%dma_wait3A_681, %dma_wait3A_682] : memref<33x1000000xf32, #tpu.memory_space<hbm>> -> memref<33x128xf32, #tpu.memory_space<hbm>>
      %dma_wait3A_684 = arith.constant 0 : i32
      %dma_wait3A_685 = arith.constant 0 : i32
      %dma_wait3A_686 = tpu.memref_slice %arg3[%dma_wait3A_684, %dma_wait3A_685] : memref<33x1000000xf32, #tpu.memory_space<hbm>> -> memref<33x128xf32, #tpu.memory_space<hbm>>
      tpu.wait_dma2 semaphore(%arg43 : memref<!tpu.dma_semaphore, #tpu.memory_space<semaphore_mem>>) src(%dma_wait3A_686 : memref<33x128xf32, #tpu.memory_space<hbm>>) dst(%arg27 : memref<33x128xf32, #tpu.memory_space<vmem>>)
      %mul3A_687 = arith.constant 0 : i32
      %mul3A_688 = vector.broadcast %mul3A_687 : i32 to vector<16xi32>
      %mul3A_689 = arith.muli %iota3A, %mul3A_688 : vector<16xi32>
      %and3A_690 = arith.constant 127 : i32
      %and3A_691 = arith.andi %squeeze3A_680, %and3A_690 : i32
      %add3A_692 = vector.broadcast %and3A_691 : i32 to vector<16xi32>
      %add3A_693 = arith.addi %mul3A_689, %add3A_692 : vector<16xi32>
      %gather3A_694 = tpu.vector_load_idx %arg27[%iota3A, %add3A_693] : memref<33x128xf32, #tpu.memory_space<vmem>>[vector<16xi32>, vector<16xi32>], vector<16xf32>,
      %gather3A_695 = tpu.vector_load_idx %arg27[%add3A_5, %add3A_693] : memref<33x128xf32, #tpu.memory_space<vmem>>[vector<16xi32>, vector<16xi32>], vector<16xf32>,
      %gather3A_696 = tpu.vector_load_idx %arg27[%add3A_11, %add3A_693] : memref<33x128xf32, #tpu.memory_space<vmem>>[vector<16xi32>, vector<16xi32>], vector<16xf32>,
      %mul3A_697 = arith.constant 0 : i32
      %mul3A_698 = vector.broadcast %mul3A_697 : i32 to vector<16xi32>
      %mul3A_699 = arith.muli %iota3A, %mul3A_698 : vector<16xi32>
      %add3A_700 = vector.broadcast %add3A_678 : i32 to vector<16xi32>
      %add3A_701 = arith.addi %mul3A_699, %add3A_700 : vector<16xi32>
      tpu.vector_store_idx %arg11[%iota3A, %add3A_701], %gather3A_694 : memref<33x512xf32, #tpu.memory_space<vmem>>[vector<16xi32>, vector<16xi32>], vector<16xf32>,
      tpu.vector_store_idx %arg11[%add3A_5, %add3A_701], %gather3A_695 : memref<33x512xf32, #tpu.memory_space<vmem>>[vector<16xi32>, vector<16xi32>], vector<16xf32>,
      tpu.vector_store_idx %arg11[%add3A_11, %add3A_701], %gather3A_696 masked %eq3A_13 : memref<33x512xf32, #tpu.memory_space<vmem>>[vector<16xi32>, vector<16xi32>], vector<16xf32>, vector<16xi1>
      %lt3A_702 = arith.constant 63 : i32
      %lt3A_703 = arith.cmpi slt, %scan3A_192, %lt3A_702 : i32
      %convert_element_type3A_704 = arith.extui %lt3A_703 : i1 to i32
      %cond3A_705 = arith.constant 0 : i32
      %cond3A_706 = arith.cmpi ne, %convert_element_type3A_704, %cond3A_705 : i32
      scf.if %cond3A_706 {
        %slice3A_707 = vector.extract_strided_slice %get3A_200 {offsets = [15], sizes = [1], strides = [1]} : vector<16xi32> to vector<1xi32>
        %squeeze3A_708 = vector.extract %slice3A_707[0] : i32 from vector<1xi32>
        %shift_right_arithmetic3A_709 = arith.constant 7 : i32
        %shift_right_arithmetic3A_710 = arith.shrsi %squeeze3A_708, %shift_right_arithmetic3A_709 : i32
        %shift_left3A_711 = arith.constant 7 : i32
        %shift_left3A_712 = arith.shli %shift_right_arithmetic3A_710, %shift_left3A_711 : i32
        %multiple_of3A_713 = tpu.assume_multiple %shift_left3A_712, 128 : i32
        %dma_start3A_714 = arith.constant 0 : i32
        %dma_start3A_715 = tpu.memref_slice %arg3[%dma_start3A_714, %multiple_of3A_713] : memref<33x1000000xf32, #tpu.memory_space<hbm>> -> memref<33x128xf32, #tpu.memory_space<hbm>>
        %dma_start3A_716 = arith.constant 0 : i32
        %dma_start3A_717 = tpu.memref_slice %arg3[%dma_start3A_716, %multiple_of3A_713] : memref<33x1000000xf32, #tpu.memory_space<hbm>> -> memref<33x128xf32, #tpu.memory_space<hbm>>
        tpu.enqueue_dma source(%dma_start3A_717 : memref<33x128xf32, #tpu.memory_space<hbm>>) target(%arg27 : memref<33x128xf32, #tpu.memory_space<vmem>>) target_semaphore(%arg43 : memref<!tpu.dma_semaphore, #tpu.memory_space<semaphore_mem>>)
      } else {
      }
    }
    %scan3A_191 = arith.constant 64 : i32
    "tpu.region"() ({
      %run_scoped3A = tpu.sem_alloc : memref<!tpu.dma_semaphore, #tpu.memory_space<semaphore_mem>>
      %dma_start3A_192 = arith.constant 0 : i32
      %dma_start3A_193 = tpu.memref_slice %arg6[%dma_start3A_192, %mul3A_2] : memref<33x16384xf32, #tpu.memory_space<hbm>> -> memref<33x512xf32, #tpu.memory_space<hbm>>
      %dma_start3A_194 = arith.constant 0 : i32
      %dma_start3A_195 = tpu.memref_slice %arg6[%dma_start3A_194, %mul3A_2] : memref<33x16384xf32, #tpu.memory_space<hbm>> -> memref<33x512xf32, #tpu.memory_space<hbm>>
      tpu.enqueue_dma source(%arg10 : memref<33x512xf32, #tpu.memory_space<vmem>>) target(%dma_start3A_195 : memref<33x512xf32, #tpu.memory_space<hbm>>) target_semaphore(%run_scoped3A : memref<!tpu.dma_semaphore, #tpu.memory_space<semaphore_mem>>)
      %dma_wait3A = arith.constant 0 : i32
      %dma_wait3A_196 = tpu.memref_slice %arg6[%dma_wait3A, %mul3A_2] : memref<33x16384xf32, #tpu.memory_space<hbm>> -> memref<33x512xf32, #tpu.memory_space<hbm>>
      %dma_wait3A_197 = arith.constant 0 : i32
      %dma_wait3A_198 = tpu.memref_slice %arg6[%dma_wait3A_197, %mul3A_2] : memref<33x16384xf32, #tpu.memory_space<hbm>> -> memref<33x512xf32, #tpu.memory_space<hbm>>
      tpu.wait_dma2 semaphore(%run_scoped3A : memref<!tpu.dma_semaphore, #tpu.memory_space<semaphore_mem>>) src(%arg10 : memref<33x512xf32, #tpu.memory_space<vmem>>) dst(%dma_wait3A_198 : memref<33x512xf32, #tpu.memory_space<hbm>>)
      tpu.yield
    }) : () -> ()
    "tpu.region"() ({
      %run_scoped3A = tpu.sem_alloc : memref<!tpu.dma_semaphore, #tpu.memory_space<semaphore_mem>>
      %dma_start3A_192 = arith.constant 0 : i32
      %dma_start3A_193 = tpu.memref_slice %arg7[%dma_start3A_192, %mul3A_2] : memref<33x16384xf32, #tpu.memory_space<hbm>> -> memref<33x512xf32, #tpu.memory_space<hbm>>
      %dma_start3A_194 = arith.constant 0 : i32
      %dma_start3A_195 = tpu.memref_slice %arg7[%dma_start3A_194, %mul3A_2] : memref<33x16384xf32, #tpu.memory_space<hbm>> -> memref<33x512xf32, #tpu.memory_space<hbm>>
      tpu.enqueue_dma source(%arg11 : memref<33x512xf32, #tpu.memory_space<vmem>>) target(%dma_start3A_195 : memref<33x512xf32, #tpu.memory_space<hbm>>) target_semaphore(%run_scoped3A : memref<!tpu.dma_semaphore, #tpu.memory_space<semaphore_mem>>)
      %dma_wait3A = arith.constant 0 : i32
      %dma_wait3A_196 = tpu.memref_slice %arg7[%dma_wait3A, %mul3A_2] : memref<33x16384xf32, #tpu.memory_space<hbm>> -> memref<33x512xf32, #tpu.memory_space<hbm>>
      %dma_wait3A_197 = arith.constant 0 : i32
      %dma_wait3A_198 = tpu.memref_slice %arg7[%dma_wait3A_197, %mul3A_2] : memref<33x16384xf32, #tpu.memory_space<hbm>> -> memref<33x512xf32, #tpu.memory_space<hbm>>
      tpu.wait_dma2 semaphore(%run_scoped3A : memref<!tpu.dma_semaphore, #tpu.memory_space<semaphore_mem>>) src(%arg11 : memref<33x512xf32, #tpu.memory_space<vmem>>) dst(%dma_wait3A_198 : memref<33x512xf32, #tpu.memory_space<hbm>>)
      tpu.yield
    }) : () -> ()
    return
  }
}

module attributes {stable_mosaic.version = 14 : i64} {
  func.func @_fm_body_t(%arg0: i32, %arg1: memref<33x512xf32, #tpu.memory_space<vmem>>, %arg2: memref<33x512xf32, #tpu.memory_space<vmem>>, %arg3: memref<100x512xf32, #tpu.memory_space<vmem>>, %arg4: memref<32x100xf32, #tpu.memory_space<vmem>>, %arg5: memref<100x32xf32, #tpu.memory_space<vmem>>, %arg6: memref<100x1xf32, #tpu.memory_space<vmem>>, %arg7: memref<102x32x512xf32, #tpu.memory_space<vmem>>, %arg8: memref<102x512xf32, #tpu.memory_space<vmem>>, %arg9: memref<1x512xf32, #tpu.memory_space<vmem>>) attributes {dimension_semantics = [#tpu.dimension_semantics<parallel>], iteration_bounds = array<i64: 32>, scalar_prefetch = 0 : i64, scratch_operands = 0 : i64, tpu.core_type = #tpu.core_type<tc>, window_params = [{transform_indices = @transform_0, window_bounds = array<i64: 33, 512>}, {transform_indices = @transform_1, window_bounds = array<i64: 33, 512>}, {transform_indices = @transform_2, window_bounds = array<i64: 100, 512>}, {pipeline_mode = #tpu.pipeline_mode<synchronous>, transform_indices = @transform_3, window_bounds = array<i64: 32, 100>}, {pipeline_mode = #tpu.pipeline_mode<synchronous>, transform_indices = @transform_4, window_bounds = array<i64: 100, 32>}, {pipeline_mode = #tpu.pipeline_mode<synchronous>, transform_indices = @transform_5, window_bounds = array<i64: 100, 1>}, {transform_indices = @transform_6, window_bounds = array<i64: 102, 32, 512>}, {transform_indices = @transform_7, window_bounds = array<i64: 102, 512>}, {transform_indices = @transform_8, window_bounds = array<i64: 1, 512>}]} {
    %get3A = arith.constant 0 : index
    %get3A_0 = arith.constant 0 : index
    %get3A_1 = vector.load %arg1[%get3A, %get3A_0] : memref<33x512xf32, #tpu.memory_space<vmem>>, vector<33x512xf32>
    %get3A_2 = arith.constant 0 : index
    %get3A_3 = arith.constant 0 : index
    %get3A_4 = vector.load %arg2[%get3A_2, %get3A_3] : memref<33x512xf32, #tpu.memory_space<vmem>>, vector<33x512xf32>
    %get3A_5 = arith.constant 0 : index
    %get3A_6 = arith.constant 0 : index
    %get3A_7 = vector.load %arg3[%get3A_5, %get3A_6] : memref<100x512xf32, #tpu.memory_space<vmem>>, vector<100x512xf32>
    %slice3A = vector.extract_strided_slice %get3A_1 {offsets = [0, 0], sizes = [32, 512], strides = [1, 1]} : vector<33x512xf32> to vector<32x512xf32>
    %slice3A_8 = vector.extract_strided_slice %get3A_4 {offsets = [0, 0], sizes = [32, 512], strides = [1, 1]} : vector<33x512xf32> to vector<32x512xf32>
    %slice3A_9 = vector.extract_strided_slice %get3A_1 {offsets = [32, 0], sizes = [1, 512], strides = [1, 1]} : vector<33x512xf32> to vector<1x512xf32>
    %slice3A_10 = vector.extract_strided_slice %get3A_4 {offsets = [32, 0], sizes = [1, 512], strides = [1, 1]} : vector<33x512xf32> to vector<1x512xf32>
    %get3A_11 = arith.constant 0 : index
    %get3A_12 = arith.constant 0 : index
    %get3A_13 = vector.load %arg4[%get3A_11, %get3A_12] : memref<32x100xf32, #tpu.memory_space<vmem>>, vector<32x100xf32>
    %add3A = arith.addf %slice3A, %slice3A_8 : vector<32x512xf32>
    %dot_general3A = arith.constant dense<0.000000e+00> : vector<32x512xf32>
    %dot_general3A_14 = tpu.matmul %get3A_13, %get3A_7, %dot_general3A {dimension_numbers = #tpu.dot_dimension_numbers<[1], [0], [0], [1], [0, 0, 1, 1], [], []>, precision = #tpu.contract_precision<fp32>, transpose_lhs_hint = false} : vector<32x100xf32>, vector<100x512xf32>, vector<32x512xf32> -> vector<32x512xf32>
    %add3A_15 = arith.addf %add3A, %dot_general3A_14 : vector<32x512xf32>
    %mul3A = arith.mulf %slice3A, %slice3A : vector<32x512xf32>
    %mul3A_16 = arith.mulf %slice3A_8, %slice3A_8 : vector<32x512xf32>
    %add3A_17 = arith.addf %mul3A, %mul3A_16 : vector<32x512xf32>
    %mul3A_18 = arith.mulf %get3A_13, %get3A_13 : vector<32x100xf32>
    %mul3A_19 = arith.mulf %get3A_7, %get3A_7 : vector<100x512xf32>
    %dot_general3A_20 = arith.constant dense<0.000000e+00> : vector<32x512xf32>
    %dot_general3A_21 = tpu.matmul %mul3A_18, %mul3A_19, %dot_general3A_20 {dimension_numbers = #tpu.dot_dimension_numbers<[1], [0], [0], [1], [0, 0, 1, 1], [], []>, precision = #tpu.contract_precision<fp32>, transpose_lhs_hint = false} : vector<32x100xf32>, vector<100x512xf32>, vector<32x512xf32> -> vector<32x512xf32>
    %add3A_22 = arith.addf %add3A_17, %dot_general3A_21 : vector<32x512xf32>
    %get3A_23 = arith.constant 0 : index
    %get3A_24 = arith.constant 0 : index
    %get3A_25 = vector.load %arg6[%get3A_23, %get3A_24] : memref<100x1xf32, #tpu.memory_space<vmem>>, vector<100x1xf32>
    %mul3A_26 = vector.broadcast %get3A_25 : vector<100x1xf32> to vector<100x512xf32>
    %mul3A_27 = arith.mulf %mul3A_26, %get3A_7 : vector<100x512xf32>
    %swap3A = arith.constant 0 : index
    %swap3A_28 = arith.constant 0 : index
    %swap3A_29 = vector.load %arg8[%swap3A, %swap3A_28] : memref<102x512xf32, #tpu.memory_space<vmem>>, vector<1x512xf32>
    tpu.vector_store %arg8[%swap3A, %swap3A_28], %slice3A_9 {strides = array<i32>} : memref<102x512xf32, #tpu.memory_space<vmem>>, vector<1x512xf32>,
    %swap3A_30 = arith.constant 1 : index
    %swap3A_31 = arith.constant 0 : index
    %swap3A_32 = vector.load %arg8[%swap3A_30, %swap3A_31] : memref<102x512xf32, #tpu.memory_space<vmem>>, vector<1x512xf32>
    tpu.vector_store %arg8[%swap3A_30, %swap3A_31], %slice3A_10 {strides = array<i32>} : memref<102x512xf32, #tpu.memory_space<vmem>>, vector<1x512xf32>,
    %swap3A_33 = arith.constant 2 : index
    %swap3A_34 = arith.constant 0 : index
    %swap3A_35 = vector.load %arg8[%swap3A_33, %swap3A_34] : memref<102x512xf32, #tpu.memory_space<vmem>>, vector<100x512xf32>
    tpu.vector_store %arg8[%swap3A_33, %swap3A_34], %mul3A_27 {strides = array<i32>} : memref<102x512xf32, #tpu.memory_space<vmem>>, vector<100x512xf32>,
    %squeeze3A = vector.shape_cast %slice3A_9 : vector<1x512xf32> to vector<512xf32>
    %squeeze3A_36 = vector.shape_cast %slice3A_10 : vector<1x512xf32> to vector<512xf32>
    %add3A_37 = arith.addf %squeeze3A, %squeeze3A_36 : vector<512xf32>
    %reduce_sum3A = arith.constant dense<0.000000e+00> : vector<512xf32>
    %reduce_sum3A_38 = vector.multi_reduction <add>, %mul3A_27, %reduce_sum3A [0] : vector<100x512xf32> to vector<512xf32>
    %add3A_39 = arith.addf %add3A_37, %reduce_sum3A_38 : vector<512xf32>
    %mul3A_40 = arith.mulf %add3A_15, %add3A_15 : vector<32x512xf32>
    %sub3A = arith.subf %mul3A_40, %add3A_22 : vector<32x512xf32>
    %reduce_sum3A_41 = arith.constant dense<0.000000e+00> : vector<512xf32>
    %reduce_sum3A_42 = vector.multi_reduction <add>, %sub3A, %reduce_sum3A_41 [0] : vector<32x512xf32> to vector<512xf32>
    %mul3A_43 = arith.constant 5.000000e-01 : f32
    %mul3A_44 = vector.broadcast %mul3A_43 : f32 to vector<512xf32>
    %mul3A_45 = arith.mulf %mul3A_44, %reduce_sum3A_42 : vector<512xf32>
    %add3A_46 = arith.addf %add3A_39, %mul3A_45 : vector<512xf32>
    %broadcast_in_dim3A = vector.shape_cast %add3A_46 : vector<512xf32> to vector<1x512xf32>
    %swap3A_47 = arith.constant 0 : index
    %swap3A_48 = arith.constant 0 : index
    %swap3A_49 = vector.load %arg9[%swap3A_47, %swap3A_48] : memref<1x512xf32, #tpu.memory_space<vmem>>, vector<1x512xf32>
    tpu.vector_store %arg9[%swap3A_47, %swap3A_48], %broadcast_in_dim3A {strides = array<i32>} : memref<1x512xf32, #tpu.memory_space<vmem>>, vector<1x512xf32>,
    %broadcast_in_dim3A_50 = vector.shape_cast %slice3A : vector<32x512xf32> to vector<1x32x512xf32>
    %swap3A_51 = arith.constant 0 : index
    %swap3A_52 = arith.constant 0 : index
    %swap3A_53 = arith.constant 0 : index
    %swap3A_54 = vector.load %arg7[%swap3A_51, %swap3A_52, %swap3A_53] : memref<102x32x512xf32, #tpu.memory_space<vmem>>, vector<1x32x512xf32>
    tpu.vector_store %arg7[%swap3A_51, %swap3A_52, %swap3A_53], %broadcast_in_dim3A_50 {strides = array<i32>} : memref<102x32x512xf32, #tpu.memory_space<vmem>>, vector<1x32x512xf32>,
    %broadcast_in_dim3A_55 = vector.shape_cast %slice3A_8 : vector<32x512xf32> to vector<1x32x512xf32>
    %swap3A_56 = arith.constant 1 : index
    %swap3A_57 = arith.constant 0 : index
    %swap3A_58 = arith.constant 0 : index
    %swap3A_59 = vector.load %arg7[%swap3A_56, %swap3A_57, %swap3A_58] : memref<102x32x512xf32, #tpu.memory_space<vmem>>, vector<1x32x512xf32>
    tpu.vector_store %arg7[%swap3A_56, %swap3A_57, %swap3A_58], %broadcast_in_dim3A_55 {strides = array<i32>} : memref<102x32x512xf32, #tpu.memory_space<vmem>>, vector<1x32x512xf32>,
    %get3A_60 = arith.constant 0 : index
    %get3A_61 = arith.constant 0 : index
    %get3A_62 = vector.load %arg5[%get3A_60, %get3A_61] : memref<100x32xf32, #tpu.memory_space<vmem>>, vector<100x32xf32>
    %broadcast_in_dim3A_63 = vector.shape_cast %get3A_62 : vector<100x32xf32> to vector<100x32x1xf32>
    %broadcast_in_dim3A_64 = vector.shape_cast %get3A_7 : vector<100x512xf32> to vector<100x1x512xf32>
    %mul3A_65 = vector.broadcast %broadcast_in_dim3A_63 : vector<100x32x1xf32> to vector<100x32x512xf32>
    %mul3A_66 = vector.broadcast %broadcast_in_dim3A_64 : vector<100x1x512xf32> to vector<100x32x512xf32>
    %mul3A_67 = arith.mulf %mul3A_65, %mul3A_66 : vector<100x32x512xf32>
    %swap3A_68 = arith.constant 2 : index
    %swap3A_69 = arith.constant 0 : index
    %swap3A_70 = arith.constant 0 : index
    %swap3A_71 = vector.load %arg7[%swap3A_68, %swap3A_69, %swap3A_70] : memref<102x32x512xf32, #tpu.memory_space<vmem>>, vector<100x32x512xf32>
    tpu.vector_store %arg7[%swap3A_68, %swap3A_69, %swap3A_70], %mul3A_67 {strides = array<i32>} : memref<102x32x512xf32, #tpu.memory_space<vmem>>, vector<100x32x512xf32>,
    return
  }
  func.func @transform_0(%arg0: i32) -> (i32, i32) {
    %c0_i32 = arith.constant 0 : i32
    %c0_i32_0 = arith.constant 0 : i32
    return %c0_i32, %arg0 : i32, i32
  }
  func.func @transform_1(%arg0: i32) -> (i32, i32) {
    %c0_i32 = arith.constant 0 : i32
    %c0_i32_0 = arith.constant 0 : i32
    return %c0_i32, %arg0 : i32, i32
  }
  func.func @transform_2(%arg0: i32) -> (i32, i32) {
    %c0_i32 = arith.constant 0 : i32
    %c0_i32_0 = arith.constant 0 : i32
    return %c0_i32, %arg0 : i32, i32
  }
  func.func @transform_3(%arg0: i32) -> (i32, i32) {
    %c0_i32 = arith.constant 0 : i32
    %c0_i32_0 = arith.constant 0 : i32
    %c0_i32_1 = arith.constant 0 : i32
    return %c0_i32, %c0_i32_0 : i32, i32
  }
  func.func @transform_4(%arg0: i32) -> (i32, i32) {
    %c0_i32 = arith.constant 0 : i32
    %c0_i32_0 = arith.constant 0 : i32
    %c0_i32_1 = arith.constant 0 : i32
    return %c0_i32, %c0_i32_0 : i32, i32
  }
  func.func @transform_5(%arg0: i32) -> (i32, i32) {
    %c0_i32 = arith.constant 0 : i32
    %c0_i32_0 = arith.constant 0 : i32
    %c0_i32_1 = arith.constant 0 : i32
    return %c0_i32, %c0_i32_0 : i32, i32
  }
  func.func @transform_6(%arg0: i32) -> (i32, i32, i32) {
    %c0_i32 = arith.constant 0 : i32
    %c0_i32_0 = arith.constant 0 : i32
    %c0_i32_1 = arith.constant 0 : i32
    return %c0_i32, %c0_i32_0, %arg0 : i32, i32, i32
  }
  func.func @transform_7(%arg0: i32) -> (i32, i32) {
    %c0_i32 = arith.constant 0 : i32
    %c0_i32_0 = arith.constant 0 : i32
    return %c0_i32, %arg0 : i32, i32
  }
  func.func @transform_8(%arg0: i32) -> (i32, i32) {
    %c0_i32 = arith.constant 0 : i32
    %c0_i32_0 = arith.constant 0 : i32
    return %c0_i32, %arg0 : i32, i32
  }
}

</mosaic_0001>

<sc_bundles>
// kernel: kernel.4.cloned.1.call-start
scs
__scs_entry_jumppad:
0x0: {  	(pc) =	sbr.rel $0x88, $3  }
0x1: {  	(tag) =	ssettag $0x0;
	lr =	simm.s32 $0x1  }
0x2: {  	[smem:$0x3F9A] =	sst lr;
	_ =	strace $0xD0000000  }
0x3: {  	_ = 	snop  }
0x4: {  	_ = 	snop  }
0x5: {  	_ = 	snop  }
0x6: {  	_ = 	snop  }
0x7: {  	_ = 	snop  }
__scs_overlays_trampoline_lowered:
0x8: {  	[smem:$0x3FA9] =	sst s0  }
0x9: {  	[smem:$0x3FAA] =	sst s1  }
0xa: {  	[smem:$0x3FAB] =	sst s2  }
0xb: {  	[smem:$0x3FAC] =	sst s3  }
0xc: {  	[smem:$0x3FAD] =	sst s4  }
0xd: {  	[smem:$0x3FAE] =	sst s5  }
0xe: {  	[smem:$0x3FAF] =	sst s6  }
0xf: {  	[smem:$0x3FB0] =	sst s7  }
0x10: {  	[smem:$0x3FB1] =	sst s8  }
0x11: {  	[smem:$0x3FB2] =	sst s9;
	s0 =	simm.s32 @!p0 $0x0  }
0x12: {  	s1 =	sld [smem:$0x3F98];
	s0 =	simm.s32 @p0 $0x1  }
0x13: {  	[smem:$0x3FB3] =	sst s0;
	s0 =	simm.s32 @!p1 $0x0  }
0x14: {  	s2 =	sld [smem:$0x3F97];
	s0 =	simm.s32 @p1 $0x1  }
0x15: {  	[smem:$0x3FB4] =	sst s0;
	s0 =	simm.s32 @!p2 $0x0  }
0x16: {  	s3 =	sld [smem:$0x3FDB];
	s0 =	simm.s32 @p2 $0x1  }
0x17: {  	s4 =	simm.s32 $0x1BF5;
	[smem:$0x3FB6] =	sst s0  }
0x18: {  	s0 =	sld [smem:$0x3F99];
	_ =	swait.ge [sflag:s4], $0x0  }
0x19: {  	s7 =	sld [smem:$0x3F9A]  }
0x1a: {  	s8 =	sadd.s32 $0xFFFFE003, lr  }
0x1b: {  	s9 =	sadd.s32 $0xFFFFFEF7, lr;
	s5 =	simm.s32 $0xFFFFFFFF;
	p2 =	slt.u32 s8, $0xFFFFF086  }
0x1c: {  	p1 =	slt.u32 s9, $0xF7A;
	s5 =	simm.s32 @!p2 $0x0  }
0x1d: {  	s5 =	simm.s32 @p1 $0x1;
	p0 =	seq.s32 s7, s2  }
0x1e: {  	s7 =	smul.u32 @!p0 $0xF7A, s2;
	p2 =	seq.s32 @!p0 s5, $0x0  }
0x1f: {  	s9 =	smul.u32 $0xF7A, s1;
	s8 =	simm.s32 @!p0 $0x1BF5;
	p2 =	por !p2, p0  }
0x20: {  	[sflag:s8] =	ssyncset.s32 @!p0 $0xFFFFF086;
	s6 =	sadd.s32 @!p0 s3, s7;
	s7 =	simm.s32 @!p0 $0x108  }
0x21: {  	s3 =	sadd.s32 s3, s9;
	s6 =	sadd.s32 @!p0 $0x88, s6;
	s7 =	simm.s32 @p2 $0x1082  }
0x22: {  	[simem:s7], [sflag:s8] =	dma.local @!p0 [hbm:s6], $0xF7A  }
0x23: {  	s9 =	sor.u32 $0xD0000000, s2;
	s6 =	simm.s32 $0x108;
	_ =	swait.ge @!p0 [sflag:s8], $0x0  }
0x24: {  	s3 =	sadd.s32 $0x88, s3;
	s6 =	simm.s32 @!p1 $0x1082;
	[sflag:s4] =	ssyncset.s32 $0xFFFFF086  }
0x25: {  	[simem:s6], [sflag:s4] =	dma.local [hbm:s3], $0xF7A  }
0x26: {  	[smem:$0x3F9A] =	sst s1;
	(tag) =	ssettag s2;
	_ =	strace s9  }
0x27: {  	s1 =	sld [smem:$0x3FAA]  }
0x28: {  	s2 =	sld [smem:$0x3FAB]  }
0x29: {  	s4 =	sld [smem:$0x3FAD]  }
0x2a: {  	p0 =	seq.s32 s5, $0x0;
	s5 =	sld [smem:$0x3FAE]  }
0x2b: {  	s6 =	sld [smem:$0x3FAF]  }
0x2c: {  	s7 =	sld [smem:$0x3FB0]  }
0x2d: {  	s3 =	simm.s32 $0x108;
	s8 =	sld [smem:$0x3FB1]  }
0x2e: {  	s3 =	simm.s32 @!p0 $0x1082;
	s9 =	sld [smem:$0x3FB2]  }
0x2f: {  	lr =	sadd.s32 s0, s3;
	s0 =	sld [smem:$0x3FA9]  }
0x30: {  	s3 =	sld [smem:$0x3FAC]  }
0x31: {  	[smem:$0x3FB5] =	sst s10  }
0x32: {  	s10 =	sld [smem:$0x3FB3];
	_ =	sdelay $0x3  }
0x33: {  	p0 =	seq.s32 s10, $0x1;
	s10 =	sld [smem:$0x3FB5];
	_ =	sdelay $0x3  }
0x34: {  	[smem:$0x3FB5] =	sst s10  }
0x35: {  	s10 =	sld [smem:$0x3FB4];
	_ =	sdelay $0x3  }
0x36: {  	p1 =	seq.s32 s10, $0x1;
	s10 =	sld [smem:$0x3FB5];
	_ =	sdelay $0x3  }
0x37: {  	[smem:$0x3FB5] =	sst s10  }
0x38: {  	s10 =	sld [smem:$0x3FB6]  }
0x39: {  	_ = 	snop;
	(pc) =	sbr.ind lr, $3  }
0x3a: {  	_ = 	snop  }
0x3b: {  	_ = 	snop  }
0x3c: {  	p2 =	seq.s32 s10, $0x1;
	s10 =	sld [smem:$0x3FB5]  }
0x3d: {  	_ =	shalt  }
0x3e: {  	_ =	shalt  }
0x3f: {  	_ =	shalt  }
0x40: {  	_ =	shalt  }
0x41: {  	_ =	shalt  }
0x42: {  	_ =	shalt  }
0x43: {  	_ =	shalt  }
0x44: {  	_ =	shalt  }
0x45: {  	_ =	shalt  }
0x46: {  	_ =	shalt  }
0x47: {  	_ =	shalt  }
0x48: {  	_ =	shalt  }
0x49: {  	_ =	shalt  }
0x4a: {  	_ =	shalt  }
0x4b: {  	_ =	shalt  }
0x4c: {  	_ =	shalt  }
0x4d: {  	_ =	shalt  }
0x4e: {  	_ =	shalt  }
0x4f: {  	_ =	shalt  }
0x50: {  	_ =	shalt  }
0x51: {  	_ =	shalt  }
0x52: {  	_ =	shalt  }
0x53: {  	_ =	shalt  }
0x54: {  	_ =	shalt  }
0x55: {  	_ =	shalt  }
0x56: {  	_ =	shalt  }
0x57: {  	_ =	shalt  }
0x58: {  	_ =	shalt  }
0x59: {  	_ =	shalt  }
0x5a: {  	_ =	shalt  }
0x5b: {  	_ =	shalt  }
0x5c: {  	_ =	shalt  }
0x5d: {  	_ =	shalt  }
0x5e: {  	_ =	shalt  }
0x5f: {  	_ =	shalt  }
0x60: {  	_ =	shalt  }
0x61: {  	_ =	shalt  }
0x62: {  	_ =	shalt  }
0x63: {  	_ =	shalt  }
0x64: {  	_ =	shalt  }
0x65: {  	_ =	shalt  }
0x66: {  	_ =	shalt  }
0x67: {  	_ =	shalt  }
0x68: {  	_ =	shalt  }
0x69: {  	_ =	shalt  }
0x6a: {  	_ =	shalt  }
0x6b: {  	_ =	shalt  }
0x6c: {  	_ =	shalt  }
0x6d: {  	_ =	shalt  }
0x6e: {  	_ =	shalt  }
0x6f: {  	_ =	shalt  }
0x70: {  	_ =	shalt  }
0x71: {  	_ =	shalt  }
0x72: {  	_ =	shalt  }
0x73: {  	_ =	shalt  }
0x74: {  	_ =	shalt  }
0x75: {  	_ =	shalt  }
0x76: {  	_ =	shalt  }
0x77: {  	_ =	shalt  }
0x78: {  	_ =	shalt  }
0x79: {  	_ =	shalt  }
0x7a: {  	_ =	shalt  }
0x7b: {  	_ =	shalt  }
0x7c: {  	_ =	shalt  }
0x7d: {  	_ =	shalt  }
0x7e: {  	_ =	shalt  }
0x7f: {  	_ =	shalt  }
0x80: {  	_ =	shalt  }
0x81: {  	_ =	shalt  }
0x82: {  	_ =	shalt  }
0x83: {  	_ =	shalt  }
0x84: {  	_ =	shalt  }
0x85: {  	_ =	shalt  }
0x86: {  	_ =	shalt  }
0x87: {  	_ =	shalt  }
.Lfunc_end0:
.L_simem_size_0:
called_computation_lowered:
.L_overlay_start_0:
0x88: {  	s2 =	sld [smem:$0x3FD9]  }
0x89: {  	s3 =	sld [smem:$0x3FFE];
	_ =	sdelay $0x1  }
0x8a: {  	s1 =	srdreg.scid  }
0x8b: {  	s0 =	sand.u32 $0x1, s1  }
0x8c: {  	s15 =	sshll.u32 s0, $0xA;
	s2 =	sadd.s32 s3, s2  }
0x8d: {  	s2 =	sadd.s32 s2, s15  }
0x8e: {  	[smem:$0x3FC1] =	sst s2  }
0x8f: {  	_ = 	snop  }
0x90: {  	s2 =	sld [smem:$0x3FC9]  }
0x91: {  	s16 =	sld [smem:$0x3FD0]  }
0x92: {  	s4 =	sld [smem:$0x3FC8]  }
0x93: {  	s5 =	sld [smem:$0x3FC6]  }
0x94: {  	s7 =	simm.s32 $0xA;
	s8 =	simm.s32 $0x10;
	s6 =	sld [smem:$0x3FC5]  }
0x95: {  	[smem:s8], [sflag:s7] =	dma.local [hbm:s16], $0x1  }
0x96: {  	_ =	swait.eq [sflag:s7], $0x1  }
0x97: {  	[sflag:s7] =	ssyncset.done $0x0  }
0x98: {  	s17 =	sld [smem:$0x11];
	[sflag:s7] =	ssyncadd.s32 $0xFFFFFFFF  }
0x99: {  	s18 =	sld [smem:$0x12];
	(tm) =	ssettm $0x1  }
0x9a: {  	s19 =	sld [smem:$0x3FFB];
	_ =	sdelay $0x3  }
0x9b: {  	_ =	strace s19  }
0x9c: {  	s8 =	sld [smem:$0x3FFC];
	_ =	sdelay $0x3  }
0x9d: {  	_ =	strace s8  }
0x9e: {  	s8 =	sld [smem:$0x3FFD];
	_ =	sdelay $0x3  }
0x9f: {  	_ =	strace s8  }
0xa0: {  	_ =	strace $0x8FFFFFFF  }
0xa1: {  	s20 =	sld [smem:$0x3FDB];
	_ =	sdelay $0x1  }
0xa2: {  	s9 =	simm.s32 $_scs_section_size  }
0xa3: {  	s10 =	simm.s32 $_size__tile_overlayer_lowered;
	s11 =	simm.s32 $_tile_overlayer_lowered  }
0xa4: {  	s23 =	simm.s32 $0x1BFF;
	s22 =	sshll.u32 s11, $0x1;
	s8 =	sadd.s32 s9, s20  }
0xa5: {  	s12 =	simm.s32 $0x0;
	s21 =	sshll.u32 s10, $0x1;
	s10 =	sadd.s32 s22, s8  }
0xa6: {  	[timem:s12], [sflag:s23] =	dma.local [hbm:s10], s21  }
0xa7: {  	_ =	swait.ge [sflag:s23], s21  }
0xa8: {  	s9 =	ssub.s32 $0x0, s21;
	[sflag:s23] =	ssyncset.done $0x0  }
0xa9: {  	[sflag:s23] =	ssyncadd.s32 s9;
	_ =	sdelay $0x1  }
0xaa: {  	s24 =	simm.s32 $0x1B8B  }
0xab: {  	_ =	swait.ge [sflag:s24], $0x1  }
0xac: {  	[sflag:s24] =	ssyncset.done $0x0  }
0xad: {  	s25 =	simm.s32 $0x1B8E;
	[sflag:s24] =	ssyncadd.s32 $0xFFFFFFFF  }
0xae: {  	s26 =	simm.s32 $execute0_lowered;
	[smem:$0x3FD2] =	sst s25  }
0xaf: {  	s9 =	sshll.u32 s26, $0x1;
	_ =	strace $0x80000046;
	[dreg:$0x1] =	wrdreg $0xFFFFFFFF  }
0xb0: {  	s28 =	simm.s32 $_size_execute0_lowered;
	s8 =	sadd.s32 s8, s9;
	[dreg:$0x0] =	wrdreg $0x0  }
0xb1: {  	s9 =	sshll.u32 s28, $0x1;
	[dreg:$0x2] =	wrdreg s8  }
0xb2: {  	[dreg:$0x3] =	wrdreg s9  }
0xb3: {  	[dreg:$0x4] =	wrdreg $0xC0  }
0xb4: {  	_ =	task [dreg:s12], $0x5FFFF  }
0xb5: {  	[dreg:$0x1] =	wrdreg $0xFFFFFFFF  }
0xb6: {  	[dreg:$0x0] =	wrdreg $0x60  }
0xb7: {  	[dreg:$0x2] =	wrdreg s5  }
0xb8: {  	[dreg:$0x3] =	wrdreg s6  }
0xb9: {  	[dreg:$0x4] =	wrdreg s2  }
0xba: {  	[dreg:$0x5] =	wrdreg s4  }
0xbb: {  	[dreg:$0x6] =	wrdreg s17  }
0xbc: {  	[dreg:$0x7] =	wrdreg s18  }
0xbd: {  	[dreg:$0x8] =	wrdreg $0x9  }
0xbe: {  	_ =	task.clear_ibuf [dreg:s12], $0x9FFFF;
	_ =	strace $0x90000046  }
0xbf: {  	s29 =	simm.s32 $0x9;
	_ =	strace $0x80000048  }
0xc0: {  	_ =	swait.ge [sflag:s29], $0x1  }
0xc1: {  	[sflag:s29] =	ssyncadd.s32 $0xFFFFFFFF  }
0xc2: {  	_ =	strace $0x90000048  }
0xc3: {  	_ =	sfence  }
0xc4: {  	s30 =	sld [smem:$0x0];
	_ =	sdelay $0x2  }
0xc5: {  	s31 =	sshll.u32 s1, $0xD;
	s1 =	sshrl.u32 s1, $0x2  }
0xc6: {  	s3 =	sand.u32 $0x4000, s31;
	s1 =	sadd.s32 s1, s30  }
0xc7: {  	s0 =	sor.u32 s3, s0;
	s1 =	sshll.u32 s1, $0x11  }
0xc8: {  	s0 =	sor.u32 s1, s0  }
0xc9: {  	s0 =	sadd.s32 $0x8F2B, s0  }
0xca: {  	[sflag:s0] =	ssyncadd.remote.s32 $0x1  }
0xcb: {  	_ =	sfence.sel $0xFFFF  }
0xcc: {  	[dreg:$0x0] =	wrdreg $0xFFFFFFFF;
	(pc) =	sbr.abs _section_cstart, $3  }
0xcd: {  	[dreg:$0x1] =	wrdreg $0xFFFFFFFF  }
0xce: {  	_ =	task.clear_ibuf [dreg:s12], $0x2FFFF;
	_ =	strace $0x9FFFFFFF  }
0xcf: {  	(tm) =	ssettm $0x7FFFFFFF  }
tec
execute0_lowered:
.L_overlay_start_1:
0x0: {  	(tag) =	ssettag $0x1  }
0x1: {  	s0 =	rddreg [dreg:$0x0]  }
0x2: {  	s1 =	rddreg [dreg:$0x1]  }
0x3: {  	s2 =	rddreg [dreg:$0x2]  }
0x4: {  	s3 =	rddreg [dreg:$0x3]  }
0x5: {  	s4 =	rddreg [dreg:$0x4];
	s5 =	srdreg.scid;
	v0 =	vlaneseq.u32;
	v1 =	vimm.s32 $0x1380  }
0x6: {  	s6 =	rddreg [dreg:$0x5];
	s7 =	stileid.u32;
	vm0 =	vcmask $0x300;
	v2 =	vimm.s32 $0x3380;
	vm1 =	vcmask $0x704  }
0x7: {  	s9 =	simm.s32 $0x0;
	s14 =	simm.s32 $0x11;
	s31 =	simm.s32 $0x14500;
	vm15 =	vcmask $0xB08;
	v1 =	vsel vm0, $0x0, v1;
	v2 =	vsel vm0, $0x2000, v2  }
0x8: {  	vm4 =	vcmask $0xF0C;
	s10 =	simm.s32 $0xF500;
	s20 =	simm.s32 $0x19500;
	s11 =	simm.s32 $0x10900;
	v1 =	vsel vm1, $0x80, v1;
	v2 =	vsel vm1, $0x2080, v2  }
0x9: {  	vm5 =	vcmask $0x1310;
	s12 =	simm.s32 $0x1A900;
	s13 =	simm.s32 $0x1BD00;
	s15 =	simm.s32 $0x13100;
	v1 =	vsel vm15, $0x100, v1;
	v2 =	vsel vm15, $0x2100, v2  }
0xa: {  	vm6 =	vcmask $0x1714;
	s16 =	simm.s32 $0x1D100;
	s29 =	simm.s32 $0x500;
	s17 =	simm.s32 $0xF;
	v1 =	vsel vm4, $0x180, v1;
	v2 =	vsel vm4, $0x2180, v2  }
0xb: {  	vm7 =	vcmask $0x1B18;
	s19 =	simm.s32 $0x8;
	s21 =	simm.s32 $0x10;
	s18 =	simm.s32 $0x0;
	v1 =	vsel vm5, $0x200, v1;
	v2 =	vsel vm5, $0x2200, v2  }
0xc: {  	vm8 =	vcmask $0x1F1C;
	s5 =	sand.u32 $0x1, s5;
	s7 =	sshll.u32 s7, $0xA;
	[smem:$0x7FF] =	sst s9;
	v1 =	vsel vm6, $0x280, v1;
	v2 =	vsel vm6, $0x2280, v2  }
0xd: {  	vm9 =	vcmask $0x2320;
	s9 =	simm.s32 $0x18100;
	s8 =	sshll.u32 s5, $0x9;
	s5 =	ssub.s32 $0x2, s5;
	v1 =	vsel vm7, $0x300, v1;
	v2 =	vsel vm7, $0x2300, v2  }
0xe: {  	vm10 =	vcmask $0x2724;
	_ =	strace $0x80000047;
	s7 =	sor.u32 s8, s7;
	s23 =	sshrl.u32 s5, $0x1;
	v1 =	vsel vm8, $0x380, v1;
	v2 =	vsel vm8, $0x2380, v2  }
0xf: {  	vm11 =	vcmask $0x2B28;
	s8 =	simm.s32 $0xE100;
	s24 =	sshrl.u32 s7, $0x3;
	s5 =	ssub.s32 s5, s23;
	v1 =	vsel vm9, $0x1000, v1;
	v2 =	vsel vm9, $0x3000, v2  }
0x10: {  	vm12 =	vcmask $0x2F2C;
	s26 =	sadd.s32 s4, s7;
	s28 =	sadd.s32 s6, s7;
	s6 =	simm.s32 $0xCD00;
	v1 =	vsel vm10, $0x1080, v1;
	v2 =	vsel vm10, $0x3080, v2  }
.Ltmp0:
0x11: {  	vm13 =	vcmask $0x3330;
	s7 =	simm.s32 $0x16D00;
	[dreg:$0x9] =	wrdreg s26;
	v1 =	vsel vm11, $0x1100, v1;
	v2 =	vsel vm11, $0x3100, v2;
	(pc) =	sbr.rel .LBB2_1-.Ltmp0, $4  }
0x12: {  	vm14 =	vcmask $0x3734;
	s4 =	simm.s32 $0x11D00;
	s2 =	sadd.s32 s2, s24;
	[dreg:$0xa] =	wrdreg s28;
	v1 =	vsel vm12, $0x1180, v1;
	v2 =	vsel vm12, $0x3180, v2  }
0x13: {  	v0 =	vmul.u32 $0x80, v0;
	s25 =	sadd.s32 s3, s24;
	s30 =	smax.u32 s5, $0x1;
	[dreg:$0x7] =	wrdreg s2;
	v1 =	vsel vm13, $0x1200, v1;
	v2 =	vsel vm13, $0x3200, v2  }
0x14: {  	vm15 =	vcmask $0x3B38;
	s26 =	simm.s32 $0xA500;
	s24 =	simm.s32 $0xB900;
	[dreg:$0x8] =	wrdreg s25;
	v3 =	vsel vm14, $0x1280, v1;
	v4 =	vsel vm14, $0x3280, v2  }
0x15: {  	s3 =	simm.s32 $0x15900;
	s5 =	simm.s32 $0x5500;
	[dreg:$0xb] =	wrdreg s30;
	v1 =	vor.u32 $0x800, v0;
	v2 =	vsel vm15, $0x1300, v3;
	v3 =	vsel vm15, $0x3300, v4  }
.LBB2_4:
0x16: {  	s2 =	rddreg [dreg:$0x9]  }
0x17: {  	s18 =	simm.s32 $0x1000;
	s22 =	simm.s32 $0x20000;
	s14 =	simm.s32 $0x11  }
0x18: {  	[hbm4b:s2+s18] =	stream.strided.scatter [tilespmem:s29], [sflag:$0x11], $0x5000, s22, s18, $0x38;
	[tilespmem:$0x1E500] =	vst v63  }
0x19: {  	_ =	swait.ge [sflag:s14], $0x5000  }
0x1a: {  	[sflag:s14] =	ssyncset.done $0x0  }
0x1b: {  	s25 =	rddreg [dreg:$0xa];
	[sflag:s14] =	ssyncadd.s32 $0xFFFFB000  }
0x1c: {  	[hbm4b:s25+s18] =	stream.strided.scatter [tilespmem:s5], [sflag:$0x11], $0x5000, s22, s18, $0x38;
	[tilespmem:$0x1E500] =	vst v63  }
0x1d: {  	_ =	swait.ge [sflag:s14], $0x5000  }
0x1e: {  	s28 =	rddreg [dreg:$0xc]  }
0x1f: {  	s30 =	rddreg [dreg:$0xb];
	s18 =	sadd.s32 $0x1, s28  }
0x20: {  	p0 =	sne.s32 s18, s30  }
.Ltmp1:
0x21: {  	_ = 	snop;
	(pc) =	sbr.rel @!p0 .LBB2_5-.Ltmp1, $3  }
0x22: {  	_ =	sdelay $0x1  }
0x23: {  	[sflag:s14] =	ssyncset.done $0x0  }
0x24: {  	[sflag:s14] =	ssyncadd.s32 $0xFFFFB000  }
.LBB2_1:
0x25: {  	[dreg:$0xc] =	wrdreg s18  }
0x26: {  	s18 =	simm.s32 $0x0;
	s2 =	rddreg [dreg:$0x7]  }
0x27: {  	[tilespmem:s18], [sflag:$0x11] =	stream.linear.gather [hbm4b:s2+s18], $0x200, $0x38;
	[tilespmem:$0x1E500] =	vst v63  }
0x28: {  	_ =	swait.ge [sflag:s14], $0x200  }
0x29: {  	[sflag:s14] =	ssyncset.done $0x0  }
0x2a: {  	s23 =	simm.s32 $0x280;
	s22 =	rddreg [dreg:$0x8];
	[sflag:s14] =	ssyncadd.s32 $0xFFFFFE00  }
0x2b: {  	[tilespmem:s23], [sflag:$0x11] =	stream.linear.gather [hbm4b:s22+s18], $0x200, $0x38;
	[tilespmem:$0x1E500] =	vst v63  }
0x2c: {  	_ =	swait.ge [sflag:s14], $0x200  }
0x2d: {  	[sflag:s14] =	ssyncset.done $0x0  }
0x2e: {  	[sflag:s14] =	ssyncadd.s32 $0xFFFFFE00  }
0x2f: {  	v4 =	vld [tilespmem:$0x0];
	_ =	sdelay $0x3  }
0x30: {  	v5 =	vld [tilespmem:$0x280]  }
0x31: {  	(v2sf) =	vpush v4, $0x0;
	_ =	sdelay $0x3  }
0x32: {  	(v2sf) =	vpush v5, $0x0;
	_ =	sdelay $0x4  }
0x33: {  	(v2sf) =	vpush v4, $0x1;
	_ =	sdelay $0x5  }
0x34: {  	s25 =	spop (v2sf)  }
0x35: {  	(v2sf) =	vpush v5, $0x1;
	s2 =	sand.u32 $0xFFFFF80, s25  }
0x36: {  	s22 =	simm.s32 $0x400;
	s25 =	simm.s32 $0x7A1400;
	s2 =	sadd.s32 s0, s2  }
0x37: {  	[tilespmem:s26], [sflag:$0x1] =	stream.strided.gather [hbm4b:s2+s22], $0x1000, s25, s22, $0x38;
	[tilespmem:$0x1E500] =	vst v63  }
0x38: {  	s30 =	spop (v2sf);
	s2 =	sadd.s32 $0x3D0A00, s2;
	s26 =	simm.s32 $0xB500  }
0x39: {  	(v2sf) =	vpush v4, $0x2;
	[tilespmem:s26], [sflag:$0x1] =	stream.linear.gather [hbm4b:s2+s18], $0x80, $0x38;
	[tilespmem:$0x1E500] =	vst v63  }
0x3a: {  	s2 =	sand.u32 $0xFFFFF80, s30  }
0x3b: {  	s2 =	sadd.s32 s1, s2  }
0x3c: {  	[tilespmem:s31], [sflag:$0x9] =	stream.strided.gather [hbm4b:s2+s22], $0x1000, s25, s22, $0x38;
	[tilespmem:$0x1E500] =	vst v63  }
0x3d: {  	s26 =	spop (v2sf);
	s2 =	sadd.s32 $0x3D0A00, s2;
	s31 =	simm.s32 $0x15500  }
0x3e: {  	(v2sf) =	vpush v5, $0x2;
	[tilespmem:s31], [sflag:$0x9] =	stream.linear.gather [hbm4b:s2+s18], $0x80, $0x38;
	[tilespmem:$0x1E500] =	vst v63  }
0x3f: {  	s2 =	sand.u32 $0xFFFFF80, s26  }
0x40: {  	s2 =	sadd.s32 s0, s2  }
0x41: {  	[tilespmem:s24], [sflag:$0x2] =	stream.strided.gather [hbm4b:s2+s22], $0x1000, s25, s22, $0x38;
	[tilespmem:$0x1E500] =	vst v63  }
0x42: {  	s30 =	simm.s32 $0xC900;
	s2 =	sadd.s32 $0x3D0A00, s2  }
0x43: {  	[tilespmem:s30], [sflag:$0x2] =	stream.linear.gather [hbm4b:s2+s18], $0x80, $0x38;
	[tilespmem:$0x1E500] =	vst v63  }
0x44: {  	s31 =	spop (v2sf)  }
0x45: {  	(v2sf) =	vpush v4, $0x3;
	s2 =	sand.u32 $0xFFFFF80, s31  }
0x46: {  	s2 =	sadd.s32 s1, s2  }
0x47: {  	[tilespmem:s3], [sflag:$0xA] =	stream.strided.gather [hbm4b:s2+s22], $0x1000, s25, s22, $0x38;
	[tilespmem:$0x1E500] =	vst v63  }
0x48: {  	s14 =	simm.s32 $0x16900;
	s24 =	spop (v2sf);
	s2 =	sadd.s32 $0x3D0A00, s2  }
0x49: {  	(v2sf) =	vpush v5, $0x3;
	[tilespmem:s14], [sflag:$0xA] =	stream.linear.gather [hbm4b:s2+s18], $0x80, $0x38;
	[tilespmem:$0x1E500] =	vst v63  }
0x4a: {  	s2 =	sand.u32 $0xFFFFF80, s24  }
0x4b: {  	s2 =	sadd.s32 s0, s2  }
0x4c: {  	[tilespmem:s6], [sflag:$0x3] =	stream.strided.gather [hbm4b:s2+s22], $0x1000, s25, s22, $0x38;
	[tilespmem:$0x1E500] =	vst v63  }
0x4d: {  	s26 =	simm.s32 $0xDD00;
	s30 =	spop (v2sf);
	s2 =	sadd.s32 $0x3D0A00, s2  }
0x4e: {  	(v2sf) =	vpush v4, $0x4;
	[tilespmem:s26], [sflag:$0x3] =	stream.linear.gather [hbm4b:s2+s18], $0x80, $0x38;
	[tilespmem:$0x1E500] =	vst v63  }
0x4f: {  	s2 =	sand.u32 $0xFFFFF80, s30  }
0x50: {  	s2 =	sadd.s32 s1, s2  }
0x51: {  	[tilespmem:s7], [sflag:$0xB] =	stream.strided.gather [hbm4b:s2+s22], $0x1000, s25, s22, $0x38;
	[tilespmem:$0x1E500] =	vst v63  }
0x52: {  	s31 =	simm.s32 $0x17D00;
	s2 =	sadd.s32 $0x3D0A00, s2  }
0x53: {  	[tilespmem:s31], [sflag:$0xB] =	stream.linear.gather [hbm4b:s2+s18], $0x80, $0x38;
	[tilespmem:$0x1E500] =	vst v63  }
0x54: {  	s6 =	spop (v2sf)  }
0x55: {  	(v2sf) =	vpush v5, $0x4;
	s2 =	sand.u32 $0xFFFFF80, s6  }
0x56: {  	s2 =	sadd.s32 s0, s2  }
0x57: {  	[tilespmem:s8], [sflag:$0x4] =	stream.strided.gather [hbm4b:s2+s22], $0x1000, s25, s22, $0x38;
	[tilespmem:$0x1E500] =	vst v63  }
0x58: {  	s7 =	simm.s32 $0xF100;
	s2 =	sadd.s32 $0x3D0A00, s2;
	s8 =	spop (v2sf)  }
0x59: {  	(v2sf) =	vpush v4, $0x5;
	[tilespmem:s7], [sflag:$0x4] =	stream.linear.gather [hbm4b:s2+s18], $0x80, $0x38;
	[tilespmem:$0x1E500] =	vst v63  }
0x5a: {  	s2 =	sand.u32 $0xFFFFF80, s8  }
0x5b: {  	s2 =	sadd.s32 s1, s2  }
0x5c: {  	[tilespmem:s9], [sflag:$0xC] =	stream.strided.gather [hbm4b:s2+s22], $0x1000, s25, s22, $0x38;
	[tilespmem:$0x1E500] =	vst v63  }
0x5d: {  	s14 =	simm.s32 $0x19100;
	s24 =	spop (v2sf);
	s2 =	sadd.s32 $0x3D0A00, s2  }
0x5e: {  	(v2sf) =	vpush v5, $0x5;
	[tilespmem:s14], [sflag:$0xC] =	stream.linear.gather [hbm4b:s2+s18], $0x80, $0x38;
	[tilespmem:$0x1E500] =	vst v63  }
0x5f: {  	s2 =	sand.u32 $0xFFFFF80, s24  }
0x60: {  	s2 =	sadd.s32 s0, s2  }
0x61: {  	[tilespmem:s10], [sflag:$0x5] =	stream.strided.gather [hbm4b:s2+s22], $0x1000, s25, s22, $0x38;
	[tilespmem:$0x1E500] =	vst v63  }
0x62: {  	s26 =	simm.s32 $0x10500;
	s2 =	sadd.s32 $0x3D0A00, s2  }
0x63: {  	[tilespmem:s26], [sflag:$0x5] =	stream.linear.gather [hbm4b:s2+s18], $0x80, $0x38;
	[tilespmem:$0x1E500] =	vst v63  }
0x64: {  	s30 =	spop (v2sf)  }
0x65: {  	(v2sf) =	vpush v4, $0x6;
	s2 =	sand.u32 $0xFFFFF80, s30  }
0x66: {  	s2 =	sadd.s32 s1, s2  }
0x67: {  	[tilespmem:s20], [sflag:$0xD] =	stream.strided.gather [hbm4b:s2+s22], $0x1000, s25, s22, $0x38;
	[tilespmem:$0x1E500] =	vst v63  }
0x68: {  	s31 =	simm.s32 $0x1A500;
	s2 =	sadd.s32 $0x3D0A00, s2;
	s3 =	spop (v2sf)  }
0x69: {  	(v2sf) =	vpush v5, $0x6;
	[tilespmem:s31], [sflag:$0xD] =	stream.linear.gather [hbm4b:s2+s18], $0x80, $0x38;
	[tilespmem:$0x1E500] =	vst v63  }
0x6a: {  	s2 =	sand.u32 $0xFFFFF80, s3  }
0x6b: {  	s2 =	sadd.s32 s0, s2  }
0x6c: {  	[tilespmem:s11], [sflag:$0x6] =	stream.strided.gather [hbm4b:s2+s22], $0x1000, s25, s22, $0x38;
	[tilespmem:$0x1E500] =	vst v63  }
0x6d: {  	s6 =	simm.s32 $0x11900;
	s7 =	spop (v2sf);
	s2 =	sadd.s32 $0x3D0A00, s2  }
0x6e: {  	(v2sf) =	vpush v4, $0x7;
	[tilespmem:s6], [sflag:$0x6] =	stream.linear.gather [hbm4b:s2+s18], $0x80, $0x38;
	[tilespmem:$0x1E500] =	vst v63  }
0x6f: {  	s2 =	sand.u32 $0xFFFFF80, s7  }
0x70: {  	s2 =	sadd.s32 s1, s2  }
0x71: {  	[tilespmem:s12], [sflag:$0xE] =	stream.strided.gather [hbm4b:s2+s22], $0x1000, s25, s22, $0x38;
	[tilespmem:$0x1E500] =	vst v63  }
0x72: {  	s8 =	simm.s32 $0x1B900;
	s2 =	sadd.s32 $0x3D0A00, s2  }
0x73: {  	[tilespmem:s8], [sflag:$0xE] =	stream.linear.gather [hbm4b:s2+s18], $0x80, $0x38;
	[tilespmem:$0x1E500] =	vst v63  }
0x74: {  	s9 =	spop (v2sf)  }
0x75: {  	(v2sf) =	vpush v5, $0x7;
	s2 =	sand.u32 $0xFFFFF80, s9  }
0x76: {  	s2 =	sadd.s32 s0, s2  }
0x77: {  	[tilespmem:s4], [sflag:$0x7] =	stream.strided.gather [hbm4b:s2+s22], $0x1000, s25, s22, $0x38;
	[tilespmem:$0x1E500] =	vst v63  }
0x78: {  	s11 =	simm.s32 $0x12D00;
	s10 =	spop (v2sf)  }
0x79: {  	s2 =	sadd.s32 $0x3D0A00, s2;
	s12 =	sand.u32 $0xFFFFF80, s10  }
0x7a: {  	[tilespmem:s11], [sflag:$0x7] =	stream.linear.gather [hbm4b:s2+s18], $0x80, $0x38;
	[tilespmem:$0x1E500] =	vst v63  }
0x7b: {  	s2 =	sadd.s32 s1, s12  }
0x7c: {  	[tilespmem:s13], [sflag:$0xF] =	stream.strided.gather [hbm4b:s2+s22], $0x1000, s25, s22, $0x38;
	[tilespmem:$0x1E500] =	vst v63  }
0x7d: {  	s20 =	simm.s32 $0x1CD00;
	s13 =	spop (v2sf)  }
0x7e: {  	s2 =	sadd.s32 $0x3D0A00, s2;
	s24 =	sand.u32 $0xFFFFF80, s13  }
0x7f: {  	[tilespmem:s20], [sflag:$0xF] =	stream.linear.gather [hbm4b:s2+s18], $0x80, $0x38;
	[tilespmem:$0x1E500] =	vst v63  }
0x80: {  	s2 =	sadd.s32 s0, s24  }
0x81: {  	[tilespmem:s15], [sflag:$0x8] =	stream.strided.gather [hbm4b:s2+s22], $0x1000, s25, s22, $0x38;
	[tilespmem:$0x1E500] =	vst v63  }
0x82: {  	s26 =	simm.s32 $0x14100;
	s2 =	sadd.s32 $0x3D0A00, s2  }
0x83: {  	[tilespmem:s26], [sflag:$0x8] =	stream.linear.gather [hbm4b:s2+s18], $0x80, $0x38;
	[tilespmem:$0x1E500] =	vst v63  }
0x84: {  	s30 =	spop (v2sf)  }
0x85: {  	s2 =	sand.u32 $0xFFFFF80, s30  }
0x86: {  	s28 =	simm.s32 $0x7;
	s2 =	sadd.s32 s1, s2  }
0x87: {  	[tilespmem:s16], [sflag:$0x10] =	stream.strided.gather [hbm4b:s2+s22], $0x1000, s25, s22, $0x38;
	[tilespmem:$0x1E500] =	vst v63  }
0x88: {  	s31 =	simm.s32 $0x1E100;
	s2 =	sadd.s32 $0x3D0A00, s2;
	s25 =	simm.s32 $0x0  }
0x89: {  	[tilespmem:s31], [sflag:$0x10] =	stream.linear.gather [hbm4b:s2+s18], $0x80, $0x38;
	[tilespmem:$0x1E500] =	vst v63  }
.LBB2_2:
0x8a: {  	v5 =	vld [tilespmem:s25+$0x0];
	_ =	sdelay $0x4  }
0x8b: {  	(v2sf) =	vpush v5, $0x0;
	_ =	sdelay $0xe  }
0x8c: {  	s3 =	simm.s32 $0x1;
	s2 =	spop (v2sf)  }
0x8d: {  	v4 =	vld [tilespmem:s23+$0x0];
	p0 =	seq.s32 s28, $0x1FF;
	_ =	swait.ge [sflag:s3], $0x1080  }
0x8e: {  	(v2sf) =	vpush @!p0 v5, $0x8;
	_ =	sdelay $0x3  }
0x8f: {  	s2 =	sand.u32 $0x7F, s2;
	(v2sf) =	vpush v4, $0x0  }
0x90: {  	s14 =	sadd.s32 $0xFFFFFFF9, s28;
	v7 =	vor.u32 s2, v0  }
0x91: {  	v9 =	vmov s14;
	v6 =	vmov s2;
	v8 =	vor.u32 s2, v1  }
0x92: {  	v10 =	vshll.u32 v9, $0x3;
	v6 =	vor.u32 $0x1000, v6  }
0x93: {  	v9 =	vand.u32 $0x78, v9;
	v10 =	vand.u32 $0xC00, v10;
	[sflag:s3] =	ssyncset.done $0x0  }
0x94: {  	s10 =	simm.s32 $0xA500;
	v9 =	vor.u32 v9, v10;
	[sflag:s3] =	ssyncadd.s32 $0xFFFFEF80  }
0x95: {  	v10 =	vor.u32 v2, v9;
	v7 =	vld.idx.msk [tilespmem:v7+s10+$0x0], $0xffff  }
0x96: {  	v11 =	vor.u32 v3, v9;
	v8 =	vld.idx.msk [tilespmem:v8+s10+$0x0], $0xffff  }
0x97: {  	v9 =	vor.u32 $0x4000, v9;
	v6 =	vld.idx.msk [tilespmem:v6+s10+$0x0], $0xffff;
	_ =	sdelay $0x2  }
0x98: {  	s14 =	simm.s32 @!p0 $0x7A1400;
	[tilespmem:v10+s29+$0x0] =	vst.idx.msk $0xffff, v7;
	s2 =	spop @!p0 (v2sf)  }
0x99: {  	s12 =	simm.s32 $0x9;
	s18 =	simm.s32 @!p0 $0xA500;
	[tilespmem:v11+s29+$0x0] =	vst.idx.msk $0xffff, v8;
	s2 =	sand.u32 @!p0 $0xFFFFF80, s2  }
0x9a: {  	s22 =	simm.s32 @!p0 $0xB500;
	[tilespmem:v9+s29+$0x0] =	vst.idx.msk $0x1, v6;
	s30 =	sadd.s32 @!p0 s0, s2;
	s2 =	simm.s32 @!p0 $0x400  }
0x9b: {  	[tilespmem:s18], [sflag:$0x1] =	stream.strided.gather @!p0 [hbm4b:s30+s2], $0x1000, s14, s2, $0x38;
	[tilespmem:$0x1E500] =	vst v63  }
0x9c: {  	s11 =	spop (v2sf);
	s18 =	sadd.s32 @!p0 $0x3D0A00, s30;
	s30 =	simm.s32 @!p0 $0x0  }
0x9d: {  	[tilespmem:s22], [sflag:$0x1] =	stream.linear.gather @!p0 [hbm4b:s18+s30], $0x80, $0x38;
	[tilespmem:$0x1E500] =	vst v63  }
0x9e: {  	_ =	swait.ge [sflag:s12], $0x1080  }
0x9f: {  	(v2sf) =	vpush @!p0 v4, $0x8;
	_ =	sdelay $0x3  }
0xa0: {  	s18 =	sand.u32 $0x7F, s11;
	(v2sf) =	vpush v5, $0x1  }
0xa1: {  	v6 =	vor.u32 s18, v0  }
0xa2: {  	v7 =	vmov s18;
	v30 =	vor.u32 s18, v1  }
0xa3: {  	v7 =	vor.u32 $0x1000, v7  }
0xa4: {  	[sflag:s12] =	ssyncset.done $0x0  }
0xa5: {  	s13 =	simm.s32 $0x14500;
	[sflag:s12] =	ssyncadd.s32 $0xFFFFEF80  }
0xa6: {  	v6 =	vld.idx.msk [tilespmem:v6+s13+$0x0], $0xffff  }
0xa7: {  	v8 =	vld.idx.msk [tilespmem:v30+s13+$0x0], $0xffff  }
0xa8: {  	v7 =	vld.idx.msk [tilespmem:v7+s13+$0x0], $0xffff;
	_ =	sdelay $0x2  }
0xa9: {  	[tilespmem:v10+s5+$0x0] =	vst.idx.msk $0xffff, v6;
	s18 =	spop @!p0 (v2sf)  }
0xaa: {  	[tilespmem:v11+s5+$0x0] =	vst.idx.msk $0xffff, v8;
	s18 =	sand.u32 @!p0 $0xFFFFF80, s18  }
0xab: {  	s20 =	simm.s32 $0x2;
	s22 =	simm.s32 @!p0 $0x14500;
	[tilespmem:v9+s5+$0x0] =	vst.idx.msk $0x1, v7;
	s18 =	sadd.s32 @!p0 s1, s18  }
0xac: {  	[tilespmem:s22], [sflag:$0x9] =	stream.strided.gather @!p0 [hbm4b:s18+s2], $0x1000, s14, s2, $0x38;
	[tilespmem:$0x1E500] =	vst v63  }
0xad: {  	s15 =	spop (v2sf);
	s18 =	sadd.s32 @!p0 $0x3D0A00, s18;
	s22 =	simm.s32 @!p0 $0x15500  }
0xae: {  	[tilespmem:s22], [sflag:$0x9] =	stream.linear.gather @!p0 [hbm4b:s18+s30], $0x80, $0x38;
	[tilespmem:$0x1E500] =	vst v63  }
0xaf: {  	_ =	swait.ge [sflag:s20], $0x1080  }
0xb0: {  	(v2sf) =	vpush @!p0 v5, $0x9;
	_ =	sdelay $0x3  }
0xb1: {  	s18 =	sand.u32 $0x7F, s15;
	(v2sf) =	vpush v4, $0x1  }
0xb2: {  	s24 =	sadd.s32 $0xFFFFFFFA, s28;
	v7 =	vor.u32 s18, v0  }
0xb3: {  	v32 =	vmov s24;
	v6 =	vmov s18;
	v31 =	vor.u32 s18, v1  }
0xb4: {  	v33 =	vshll.u32 v32, $0x3;
	v6 =	vor.u32 $0x1000, v6  }
0xb5: {  	v10 =	vand.u32 $0xC00, v33;
	v9 =	vand.u32 $0x79, v32;
	[sflag:s20] =	ssyncset.done $0x0  }
0xb6: {  	s3 =	simm.s32 $0xB900;
	v9 =	vor.u32 v9, v10;
	[sflag:s20] =	ssyncadd.s32 $0xFFFFEF80  }
0xb7: {  	v10 =	vor.u32 v2, v9;
	v7 =	vld.idx.msk [tilespmem:v7+s3+$0x0], $0xffff  }
0xb8: {  	v34 =	vor.u32 v3, v9;
	v8 =	vld.idx.msk [tilespmem:v31+s3+$0x0], $0xffff  }
0xb9: {  	v9 =	vor.u32 $0x4000, v9;
	v6 =	vld.idx.msk [tilespmem:v6+s3+$0x0], $0xffff;
	_ =	sdelay $0x2  }
0xba: {  	[tilespmem:v10+s29+$0x0] =	vst.idx.msk $0xffff, v7;
	s18 =	spop @!p0 (v2sf)  }
0xbb: {  	[tilespmem:v34+s29+$0x0] =	vst.idx.msk $0xffff, v8;
	s18 =	sand.u32 @!p0 $0xFFFFF80, s18  }
0xbc: {  	s6 =	simm.s32 $0xA;
	s22 =	simm.s32 @!p0 $0xB900;
	[tilespmem:v9+s29+$0x0] =	vst.idx.msk $0x1, v6;
	s18 =	sadd.s32 @!p0 s0, s18  }
0xbd: {  	[tilespmem:s22], [sflag:$0x2] =	stream.strided.gather @!p0 [hbm4b:s18+s2], $0x1000, s14, s2, $0x38;
	[tilespmem:$0x1E500] =	vst v63  }
0xbe: {  	s4 =	spop (v2sf);
	s18 =	sadd.s32 @!p0 $0x3D0A00, s18;
	s22 =	simm.s32 @!p0 $0xC900  }
0xbf: {  	[tilespmem:s22], [sflag:$0x2] =	stream.linear.gather @!p0 [hbm4b:s18+s30], $0x80, $0x38;
	[tilespmem:$0x1E500] =	vst v63  }
0xc0: {  	_ =	swait.ge [sflag:s6], $0x1080  }
0xc1: {  	(v2sf) =	vpush @!p0 v4, $0x9;
	_ =	sdelay $0x3  }
0xc2: {  	s18 =	sand.u32 $0x7F, s4;
	(v2sf) =	vpush v5, $0x2  }
0xc3: {  	v6 =	vor.u32 s18, v0  }
0xc4: {  	v7 =	vmov s18;
	v35 =	vor.u32 s18, v1  }
0xc5: {  	v7 =	vor.u32 $0x1000, v7  }
0xc6: {  	[sflag:s6] =	ssyncset.done $0x0  }
0xc7: {  	s7 =	simm.s32 $0x15900;
	[sflag:s6] =	ssyncadd.s32 $0xFFFFEF80  }
0xc8: {  	v6 =	vld.idx.msk [tilespmem:v6+s7+$0x0], $0xffff  }
0xc9: {  	v8 =	vld.idx.msk [tilespmem:v35+s7+$0x0], $0xffff  }
0xca: {  	v7 =	vld.idx.msk [tilespmem:v7+s7+$0x0], $0xffff;
	_ =	sdelay $0x2  }
0xcb: {  	[tilespmem:v10+s5+$0x0] =	vst.idx.msk $0xffff, v6;
	s18 =	spop @!p0 (v2sf)  }
0xcc: {  	[tilespmem:v34+s5+$0x0] =	vst.idx.msk $0xffff, v8;
	s18 =	sand.u32 @!p0 $0xFFFFF80, s18  }
0xcd: {  	s22 =	simm.s32 @!p0 $0x15900;
	s4 =	simm.s32 $0x3;
	[tilespmem:v9+s5+$0x0] =	vst.idx.msk $0x1, v7;
	s18 =	sadd.s32 @!p0 s1, s18  }
0xce: {  	[tilespmem:s22], [sflag:$0xA] =	stream.strided.gather @!p0 [hbm4b:s18+s2], $0x1000, s14, s2, $0x38;
	[tilespmem:$0x1E500] =	vst v63  }
0xcf: {  	s8 =	spop (v2sf);
	s18 =	sadd.s32 @!p0 $0x3D0A00, s18;
	s22 =	simm.s32 @!p0 $0x16900  }
0xd0: {  	[tilespmem:s22], [sflag:$0xA] =	stream.linear.gather @!p0 [hbm4b:s18+s30], $0x80, $0x38;
	[tilespmem:$0x1E500] =	vst v63  }
0xd1: {  	_ =	swait.ge [sflag:s4], $0x1080  }
0xd2: {  	(v2sf) =	vpush @!p0 v5, $0xA;
	_ =	sdelay $0x3  }
0xd3: {  	s18 =	sand.u32 $0x7F, s8;
	(v2sf) =	vpush v4, $0x2  }
0xd4: {  	s9 =	sadd.s32 $0xFFFFFFFB, s28;
	v7 =	vor.u32 s18, v0  }
0xd5: {  	v37 =	vmov s9;
	v6 =	vmov s18;
	v36 =	vor.u32 s18, v1  }
0xd6: {  	v38 =	vshll.u32 v37, $0x3;
	v6 =	vor.u32 $0x1000, v6  }
0xd7: {  	v10 =	vand.u32 $0xC00, v38;
	v9 =	vand.u32 $0x7A, v37;
	[sflag:s4] =	ssyncset.done $0x0  }
0xd8: {  	s10 =	simm.s32 $0xCD00;
	v9 =	vor.u32 v9, v10;
	[sflag:s4] =	ssyncadd.s32 $0xFFFFEF80  }
0xd9: {  	v10 =	vor.u32 v2, v9;
	v7 =	vld.idx.msk [tilespmem:v7+s10+$0x0], $0xffff  }
0xda: {  	v39 =	vor.u32 v3, v9;
	v8 =	vld.idx.msk [tilespmem:v36+s10+$0x0], $0xffff  }
0xdb: {  	v9 =	vor.u32 $0x4000, v9;
	v6 =	vld.idx.msk [tilespmem:v6+s10+$0x0], $0xffff;
	_ =	sdelay $0x2  }
0xdc: {  	[tilespmem:v10+s29+$0x0] =	vst.idx.msk $0xffff, v7;
	s18 =	spop @!p0 (v2sf)  }
0xdd: {  	[tilespmem:v39+s29+$0x0] =	vst.idx.msk $0xffff, v8;
	s18 =	sand.u32 @!p0 $0xFFFFF80, s18  }
0xde: {  	s12 =	simm.s32 $0xB;
	s22 =	simm.s32 @!p0 $0xCD00;
	[tilespmem:v9+s29+$0x0] =	vst.idx.msk $0x1, v6;
	s18 =	sadd.s32 @!p0 s0, s18  }
0xdf: {  	[tilespmem:s22], [sflag:$0x3] =	stream.strided.gather @!p0 [hbm4b:s18+s2], $0x1000, s14, s2, $0x38;
	[tilespmem:$0x1E500] =	vst v63  }
0xe0: {  	s11 =	spop (v2sf);
	s18 =	sadd.s32 @!p0 $0x3D0A00, s18;
	s22 =	simm.s32 @!p0 $0xDD00  }
0xe1: {  	[tilespmem:s22], [sflag:$0x3] =	stream.linear.gather @!p0 [hbm4b:s18+s30], $0x80, $0x38;
	[tilespmem:$0x1E500] =	vst v63  }
0xe2: {  	_ =	swait.ge [sflag:s12], $0x1080  }
0xe3: {  	(v2sf) =	vpush @!p0 v4, $0xA;
	_ =	sdelay $0x3  }
0xe4: {  	s18 =	sand.u32 $0x7F, s11;
	(v2sf) =	vpush v5, $0x3  }
0xe5: {  	v6 =	vor.u32 s18, v0  }
0xe6: {  	v7 =	vmov s18;
	v40 =	vor.u32 s18, v1  }
0xe7: {  	v7 =	vor.u32 $0x1000, v7  }
0xe8: {  	[sflag:s12] =	ssyncset.done $0x0  }
0xe9: {  	s13 =	simm.s32 $0x16D00;
	[sflag:s12] =	ssyncadd.s32 $0xFFFFEF80  }
0xea: {  	v6 =	vld.idx.msk [tilespmem:v6+s13+$0x0], $0xffff  }
0xeb: {  	v8 =	vld.idx.msk [tilespmem:v40+s13+$0x0], $0xffff  }
0xec: {  	v7 =	vld.idx.msk [tilespmem:v7+s13+$0x0], $0xffff;
	_ =	sdelay $0x2  }
0xed: {  	[tilespmem:v10+s5+$0x0] =	vst.idx.msk $0xffff, v6;
	s18 =	spop @!p0 (v2sf)  }
0xee: {  	[tilespmem:v39+s5+$0x0] =	vst.idx.msk $0xffff, v8;
	s18 =	sand.u32 @!p0 $0xFFFFF80, s18  }
0xef: {  	s20 =	simm.s32 $0x4;
	s22 =	simm.s32 @!p0 $0x16D00;
	[tilespmem:v9+s5+$0x0] =	vst.idx.msk $0x1, v7;
	s18 =	sadd.s32 @!p0 s1, s18  }
0xf0: {  	[tilespmem:s22], [sflag:$0xB] =	stream.strided.gather @!p0 [hbm4b:s18+s2], $0x1000, s14, s2, $0x38;
	[tilespmem:$0x1E500] =	vst v63  }
0xf1: {  	s15 =	spop (v2sf);
	s18 =	sadd.s32 @!p0 $0x3D0A00, s18;
	s22 =	simm.s32 @!p0 $0x17D00  }
0xf2: {  	[tilespmem:s22], [sflag:$0xB] =	stream.linear.gather @!p0 [hbm4b:s18+s30], $0x80, $0x38;
	[tilespmem:$0x1E500] =	vst v63  }
0xf3: {  	_ =	swait.ge [sflag:s20], $0x1080  }
0xf4: {  	(v2sf) =	vpush @!p0 v5, $0xB;
	_ =	sdelay $0x3  }
0xf5: {  	s18 =	sand.u32 $0x7F, s15;
	(v2sf) =	vpush v4, $0x3  }
0xf6: {  	s8 =	sadd.s32 $0xFFFFFFFC, s28;
	v7 =	vor.u32 s18, v0  }
0xf7: {  	v42 =	vmov s8;
	v6 =	vmov s18;
	v41 =	vor.u32 s18, v1  }
0xf8: {  	v43 =	vshll.u32 v42, $0x3;
	v6 =	vor.u32 $0x1000, v6  }
0xf9: {  	v10 =	vand.u32 $0xC00, v43;
	v9 =	vand.u32 $0x7B, v42;
	[sflag:s20] =	ssyncset.done $0x0  }
0xfa: {  	s9 =	simm.s32 $0xE100;
	v9 =	vor.u32 v9, v10;
	[sflag:s20] =	ssyncadd.s32 $0xFFFFEF80  }
0xfb: {  	v10 =	vor.u32 v2, v9;
	v7 =	vld.idx.msk [tilespmem:v7+s9+$0x0], $0xffff  }
0xfc: {  	v44 =	vor.u32 v3, v9;
	v8 =	vld.idx.msk [tilespmem:v41+s9+$0x0], $0xffff  }
0xfd: {  	v9 =	vor.u32 $0x4000, v9;
	v6 =	vld.idx.msk [tilespmem:v6+s9+$0x0], $0xffff;
	_ =	sdelay $0x2  }
0xfe: {  	[tilespmem:v10+s29+$0x0] =	vst.idx.msk $0xffff, v7;
	s18 =	spop @!p0 (v2sf)  }
0xff: {  	[tilespmem:v44+s29+$0x0] =	vst.idx.msk $0xffff, v8;
	s18 =	sand.u32 @!p0 $0xFFFFF80, s18  }
0x100: {  	s11 =	simm.s32 $0xC;
	s22 =	simm.s32 @!p0 $0xE100;
	[tilespmem:v9+s29+$0x0] =	vst.idx.msk $0x1, v6;
	s18 =	sadd.s32 @!p0 s0, s18  }
0x101: {  	[tilespmem:s22], [sflag:$0x4] =	stream.strided.gather @!p0 [hbm4b:s18+s2], $0x1000, s14, s2, $0x38;
	[tilespmem:$0x1E500] =	vst v63  }
0x102: {  	s10 =	spop (v2sf);
	s18 =	sadd.s32 @!p0 $0x3D0A00, s18;
	s22 =	simm.s32 @!p0 $0xF100  }
0x103: {  	[tilespmem:s22], [sflag:$0x4] =	stream.linear.gather @!p0 [hbm4b:s18+s30], $0x80, $0x38;
	[tilespmem:$0x1E500] =	vst v63  }
0x104: {  	_ =	swait.ge [sflag:s11], $0x1080  }
0x105: {  	(v2sf) =	vpush @!p0 v4, $0xB;
	_ =	sdelay $0x3  }
0x106: {  	s18 =	sand.u32 $0x7F, s10;
	(v2sf) =	vpush v5, $0x4  }
0x107: {  	v6 =	vor.u32 s18, v0  }
0x108: {  	v7 =	vmov s18;
	v45 =	vor.u32 s18, v1  }
0x109: {  	v7 =	vor.u32 $0x1000, v7  }
0x10a: {  	[sflag:s11] =	ssyncset.done $0x0  }
0x10b: {  	s12 =	simm.s32 $0x18100;
	[sflag:s11] =	ssyncadd.s32 $0xFFFFEF80  }
0x10c: {  	v6 =	vld.idx.msk [tilespmem:v6+s12+$0x0], $0xffff  }
0x10d: {  	v8 =	vld.idx.msk [tilespmem:v45+s12+$0x0], $0xffff  }
0x10e: {  	v7 =	vld.idx.msk [tilespmem:v7+s12+$0x0], $0xffff;
	_ =	sdelay $0x2  }
0x10f: {  	[tilespmem:v10+s5+$0x0] =	vst.idx.msk $0xffff, v6;
	s18 =	spop @!p0 (v2sf)  }
0x110: {  	[tilespmem:v44+s5+$0x0] =	vst.idx.msk $0xffff, v8;
	s18 =	sand.u32 @!p0 $0xFFFFF80, s18  }
0x111: {  	s15 =	simm.s32 $0x5;
	s22 =	simm.s32 @!p0 $0x18100;
	[tilespmem:v9+s5+$0x0] =	vst.idx.msk $0x1, v7;
	s18 =	sadd.s32 @!p0 s1, s18  }
0x112: {  	[tilespmem:s22], [sflag:$0xC] =	stream.strided.gather @!p0 [hbm4b:s18+s2], $0x1000, s14, s2, $0x38;
	[tilespmem:$0x1E500] =	vst v63  }
0x113: {  	s13 =	spop (v2sf);
	s18 =	sadd.s32 @!p0 $0x3D0A00, s18;
	s22 =	simm.s32 @!p0 $0x19100  }
0x114: {  	[tilespmem:s22], [sflag:$0xC] =	stream.linear.gather @!p0 [hbm4b:s18+s30], $0x80, $0x38;
	[tilespmem:$0x1E500] =	vst v63  }
0x115: {  	_ =	swait.ge [sflag:s15], $0x1080  }
0x116: {  	(v2sf) =	vpush @!p0 v5, $0xC;
	_ =	sdelay $0x3  }
0x117: {  	s18 =	sand.u32 $0x7F, s13;
	(v2sf) =	vpush v4, $0x4  }
0x118: {  	s20 =	sadd.s32 $0xFFFFFFFD, s28;
	v7 =	vor.u32 s18, v0  }
0x119: {  	v47 =	vmov s20;
	v6 =	vmov s18;
	v46 =	vor.u32 s18, v1  }
0x11a: {  	v48 =	vshll.u32 v47, $0x3;
	v6 =	vor.u32 $0x1000, v6  }
0x11b: {  	v10 =	vand.u32 $0xC00, v48;
	v9 =	vand.u32 $0x7C, v47;
	[sflag:s15] =	ssyncset.done $0x0  }
0x11c: {  	v9 =	vor.u32 v9, v10;
	s22 =	simm.s32 $0xF500;
	[sflag:s15] =	ssyncadd.s32 $0xFFFFEF80  }
0x11d: {  	v10 =	vor.u32 v2, v9;
	v7 =	vld.idx.msk [tilespmem:v7+s22+$0x0], $0xffff  }
0x11e: {  	v49 =	vor.u32 v3, v9;
	v8 =	vld.idx.msk [tilespmem:v46+s22+$0x0], $0xffff  }
0x11f: {  	v9 =	vor.u32 $0x4000, v9;
	v6 =	vld.idx.msk [tilespmem:v6+s22+$0x0], $0xffff;
	_ =	sdelay $0x2  }
0x120: {  	[tilespmem:v10+s29+$0x0] =	vst.idx.msk $0xffff, v7;
	s18 =	spop @!p0 (v2sf)  }
0x121: {  	[tilespmem:v49+s29+$0x0] =	vst.idx.msk $0xffff, v8;
	s18 =	sand.u32 @!p0 $0xFFFFF80, s18  }
0x122: {  	s11 =	simm.s32 $0xD;
	s22 =	simm.s32 @!p0 $0xF500;
	[tilespmem:v9+s29+$0x0] =	vst.idx.msk $0x1, v6;
	s18 =	sadd.s32 @!p0 s0, s18  }
0x123: {  	[tilespmem:s22], [sflag:$0x5] =	stream.strided.gather @!p0 [hbm4b:s18+s2], $0x1000, s14, s2, $0x38;
	[tilespmem:$0x1E500] =	vst v63  }
0x124: {  	s4 =	spop (v2sf);
	s18 =	sadd.s32 @!p0 $0x3D0A00, s18;
	s22 =	simm.s32 @!p0 $0x10500  }
0x125: {  	[tilespmem:s22], [sflag:$0x5] =	stream.linear.gather @!p0 [hbm4b:s18+s30], $0x80, $0x38;
	[tilespmem:$0x1E500] =	vst v63  }
0x126: {  	_ =	swait.ge [sflag:s11], $0x1080  }
0x127: {  	(v2sf) =	vpush @!p0 v4, $0xC;
	_ =	sdelay $0x3  }
0x128: {  	s18 =	sand.u32 $0x7F, s4;
	(v2sf) =	vpush v5, $0x5  }
0x129: {  	v6 =	vor.u32 s18, v0  }
0x12a: {  	v7 =	vmov s18;
	v50 =	vor.u32 s18, v1  }
0x12b: {  	v7 =	vor.u32 $0x1000, v7  }
0x12c: {  	[sflag:s11] =	ssyncset.done $0x0  }
0x12d: {  	s12 =	simm.s32 $0x19500;
	[sflag:s11] =	ssyncadd.s32 $0xFFFFEF80  }
0x12e: {  	v6 =	vld.idx.msk [tilespmem:v6+s12+$0x0], $0xffff  }
0x12f: {  	v8 =	vld.idx.msk [tilespmem:v50+s12+$0x0], $0xffff  }
0x130: {  	v7 =	vld.idx.msk [tilespmem:v7+s12+$0x0], $0xffff;
	_ =	sdelay $0x2  }
0x131: {  	[tilespmem:v10+s5+$0x0] =	vst.idx.msk $0xffff, v6;
	s18 =	spop @!p0 (v2sf)  }
0x132: {  	[tilespmem:v49+s5+$0x0] =	vst.idx.msk $0xffff, v8;
	s18 =	sand.u32 @!p0 $0xFFFFF80, s18  }
0x133: {  	s15 =	simm.s32 $0x6;
	s22 =	simm.s32 @!p0 $0x19500;
	[tilespmem:v9+s5+$0x0] =	vst.idx.msk $0x1, v7;
	s18 =	sadd.s32 @!p0 s1, s18  }
0x134: {  	[tilespmem:s22], [sflag:$0xD] =	stream.strided.gather @!p0 [hbm4b:s18+s2], $0x1000, s14, s2, $0x38;
	[tilespmem:$0x1E500] =	vst v63  }
0x135: {  	s13 =	spop (v2sf);
	s18 =	sadd.s32 @!p0 $0x3D0A00, s18;
	s22 =	simm.s32 @!p0 $0x1A500  }
0x136: {  	[tilespmem:s22], [sflag:$0xD] =	stream.linear.gather @!p0 [hbm4b:s18+s30], $0x80, $0x38;
	[tilespmem:$0x1E500] =	vst v63  }
0x137: {  	_ =	swait.ge [sflag:s15], $0x1080  }
0x138: {  	(v2sf) =	vpush @!p0 v5, $0xD;
	_ =	sdelay $0x3  }
0x139: {  	s18 =	sand.u32 $0x7F, s13;
	(v2sf) =	vpush v4, $0x5  }
0x13a: {  	s11 =	sadd.s32 $0xFFFFFFFE, s28;
	v7 =	vor.u32 s18, v0  }
0x13b: {  	v52 =	vmov s11;
	v6 =	vmov s18;
	v51 =	vor.u32 s18, v1  }
0x13c: {  	v53 =	vshll.u32 v52, $0x3;
	v6 =	vor.u32 $0x1000, v6  }
0x13d: {  	v10 =	vand.u32 $0xC00, v53;
	v9 =	vand.u32 $0x7D, v52;
	[sflag:s15] =	ssyncset.done $0x0  }
0x13e: {  	s12 =	simm.s32 $0x10900;
	v9 =	vor.u32 v9, v10;
	[sflag:s15] =	ssyncadd.s32 $0xFFFFEF80  }
0x13f: {  	v10 =	vor.u32 v2, v9;
	v7 =	vld.idx.msk [tilespmem:v7+s12+$0x0], $0xffff  }
0x140: {  	v54 =	vor.u32 v3, v9;
	v8 =	vld.idx.msk [tilespmem:v51+s12+$0x0], $0xffff  }
0x141: {  	v9 =	vor.u32 $0x4000, v9;
	v6 =	vld.idx.msk [tilespmem:v6+s12+$0x0], $0xffff;
	_ =	sdelay $0x2  }
0x142: {  	[tilespmem:v10+s29+$0x0] =	vst.idx.msk $0xffff, v7;
	s18 =	spop @!p0 (v2sf)  }
0x143: {  	[tilespmem:v54+s29+$0x0] =	vst.idx.msk $0xffff, v8;
	s18 =	sand.u32 @!p0 $0xFFFFF80, s18  }
0x144: {  	s22 =	simm.s32 @!p0 $0x10900;
	s15 =	simm.s32 $0xE;
	[tilespmem:v9+s29+$0x0] =	vst.idx.msk $0x1, v6;
	s18 =	sadd.s32 @!p0 s0, s18  }
0x145: {  	[tilespmem:s22], [sflag:$0x6] =	stream.strided.gather @!p0 [hbm4b:s18+s2], $0x1000, s14, s2, $0x38;
	[tilespmem:$0x1E500] =	vst v63  }
0x146: {  	s13 =	spop (v2sf);
	s18 =	sadd.s32 @!p0 $0x3D0A00, s18;
	s22 =	simm.s32 @!p0 $0x11900  }
0x147: {  	[tilespmem:s22], [sflag:$0x6] =	stream.linear.gather @!p0 [hbm4b:s18+s30], $0x80, $0x38;
	[tilespmem:$0x1E500] =	vst v63  }
0x148: {  	_ =	swait.ge [sflag:s15], $0x1080  }
0x149: {  	(v2sf) =	vpush @!p0 v4, $0xD;
	_ =	sdelay $0x3  }
0x14a: {  	s18 =	sand.u32 $0x7F, s13;
	(v2sf) =	vpush v5, $0x6  }
0x14b: {  	v6 =	vor.u32 s18, v0  }
0x14c: {  	v7 =	vmov s18;
	v55 =	vor.u32 s18, v1  }
0x14d: {  	v7 =	vor.u32 $0x1000, v7  }
0x14e: {  	[sflag:s15] =	ssyncset.done $0x0  }
0x14f: {  	s22 =	simm.s32 $0x1A900;
	[sflag:s15] =	ssyncadd.s32 $0xFFFFEF80  }
0x150: {  	v6 =	vld.idx.msk [tilespmem:v6+s22+$0x0], $0xffff  }
0x151: {  	v8 =	vld.idx.msk [tilespmem:v55+s22+$0x0], $0xffff  }
0x152: {  	v7 =	vld.idx.msk [tilespmem:v7+s22+$0x0], $0xffff;
	_ =	sdelay $0x2  }
0x153: {  	[tilespmem:v10+s5+$0x0] =	vst.idx.msk $0xffff, v6;
	s18 =	spop @!p0 (v2sf)  }
0x154: {  	[tilespmem:v54+s5+$0x0] =	vst.idx.msk $0xffff, v8;
	s18 =	sand.u32 @!p0 $0xFFFFF80, s18  }
0x155: {  	s13 =	simm.s32 $0x7;
	s22 =	simm.s32 @!p0 $0x1A900;
	[tilespmem:v9+s5+$0x0] =	vst.idx.msk $0x1, v7;
	s18 =	sadd.s32 @!p0 s1, s18  }
0x156: {  	[tilespmem:s22], [sflag:$0xE] =	stream.strided.gather @!p0 [hbm4b:s18+s2], $0x1000, s14, s2, $0x38;
	[tilespmem:$0x1E500] =	vst v63  }
0x157: {  	s4 =	spop (v2sf);
	s18 =	sadd.s32 @!p0 $0x3D0A00, s18;
	s22 =	simm.s32 @!p0 $0x1B900  }
0x158: {  	[tilespmem:s22], [sflag:$0xE] =	stream.linear.gather @!p0 [hbm4b:s18+s30], $0x80, $0x38;
	[tilespmem:$0x1E500] =	vst v63  }
0x159: {  	_ =	swait.ge [sflag:s13], $0x1080  }
0x15a: {  	(v2sf) =	vpush @!p0 v5, $0xE;
	_ =	sdelay $0x3  }
0x15b: {  	s18 =	sand.u32 $0x7F, s4;
	(v2sf) =	vpush v4, $0x6  }
0x15c: {  	s15 =	sadd.s32 $0xFFFFFFFF, s28;
	v7 =	vor.u32 s18, v0  }
0x15d: {  	v57 =	vmov s15;
	v6 =	vmov s18;
	v56 =	vor.u32 s18, v1  }
0x15e: {  	v58 =	vshll.u32 v57, $0x3;
	v6 =	vor.u32 $0x1000, v6  }
0x15f: {  	v10 =	vand.u32 $0xC00, v58;
	v9 =	vand.u32 $0x7E, v57;
	[sflag:s13] =	ssyncset.done $0x0  }
0x160: {  	v9 =	vor.u32 v9, v10;
	[sflag:s13] =	ssyncadd.s32 $0xFFFFEF80;
	s13 =	simm.s32 $0x11D00  }
0x161: {  	v10 =	vor.u32 v2, v9;
	v7 =	vld.idx.msk [tilespmem:v7+s13+$0x0], $0xffff  }
0x162: {  	v59 =	vor.u32 v3, v9;
	v8 =	vld.idx.msk [tilespmem:v56+s13+$0x0], $0xffff  }
0x163: {  	v9 =	vor.u32 $0x4000, v9;
	v6 =	vld.idx.msk [tilespmem:v6+s13+$0x0], $0xffff;
	_ =	sdelay $0x2  }
0x164: {  	[tilespmem:v10+s29+$0x0] =	vst.idx.msk $0xffff, v7;
	s18 =	spop @!p0 (v2sf)  }
0x165: {  	[tilespmem:v59+s29+$0x0] =	vst.idx.msk $0xffff, v8;
	s18 =	sand.u32 @!p0 $0xFFFFF80, s18  }
0x166: {  	s22 =	simm.s32 @!p0 $0x11D00;
	[tilespmem:v9+s29+$0x0] =	vst.idx.msk $0x1, v6;
	s18 =	sadd.s32 @!p0 s0, s18  }
0x167: {  	[tilespmem:s22], [sflag:$0x7] =	stream.strided.gather @!p0 [hbm4b:s18+s2], $0x1000, s14, s2, $0x38;
	[tilespmem:$0x1E500] =	vst v63  }
0x168: {  	s15 =	spop (v2sf);
	s18 =	sadd.s32 @!p0 $0x3D0A00, s18;
	s22 =	simm.s32 @!p0 $0x12D00  }
0x169: {  	[tilespmem:s22], [sflag:$0x7] =	stream.linear.gather @!p0 [hbm4b:s18+s30], $0x80, $0x38;
	[tilespmem:$0x1E500] =	vst v63  }
0x16a: {  	_ =	swait.ge [sflag:s17], $0x1080  }
0x16b: {  	(v2sf) =	vpush @!p0 v4, $0xE;
	_ =	sdelay $0x3  }
0x16c: {  	s18 =	sand.u32 $0x7F, s15;
	(v2sf) =	vpush v5, $0x7  }
0x16d: {  	v6 =	vor.u32 s18, v0  }
0x16e: {  	v7 =	vmov s18;
	v60 =	vor.u32 s18, v1  }
0x16f: {  	v7 =	vor.u32 $0x1000, v7  }
0x170: {  	[sflag:s17] =	ssyncset.done $0x0  }
0x171: {  	s22 =	simm.s32 $0x1BD00;
	[sflag:s17] =	ssyncadd.s32 $0xFFFFEF80  }
0x172: {  	v6 =	vld.idx.msk [tilespmem:v6+s22+$0x0], $0xffff  }
0x173: {  	v8 =	vld.idx.msk [tilespmem:v60+s22+$0x0], $0xffff  }
0x174: {  	v7 =	vld.idx.msk [tilespmem:v7+s22+$0x0], $0xffff;
	_ =	sdelay $0x2  }
0x175: {  	[tilespmem:v10+s5+$0x0] =	vst.idx.msk $0xffff, v6;
	s18 =	spop @!p0 (v2sf)  }
0x176: {  	[tilespmem:v59+s5+$0x0] =	vst.idx.msk $0xffff, v8;
	s18 =	sand.u32 @!p0 $0xFFFFF80, s18  }
0x177: {  	s22 =	simm.s32 @!p0 $0x1BD00;
	[tilespmem:v9+s5+$0x0] =	vst.idx.msk $0x1, v7;
	s18 =	sadd.s32 @!p0 s1, s18  }
0x178: {  	[tilespmem:s22], [sflag:$0xF] =	stream.strided.gather @!p0 [hbm4b:s18+s2], $0x1000, s14, s2, $0x38;
	[tilespmem:$0x1E500] =	vst v63  }
0x179: {  	s15 =	spop (v2sf);
	s18 =	sadd.s32 @!p0 $0x3D0A00, s18;
	s22 =	simm.s32 @!p0 $0x1CD00  }
0x17a: {  	[tilespmem:s22], [sflag:$0xF] =	stream.linear.gather @!p0 [hbm4b:s18+s30], $0x80, $0x38;
	[tilespmem:$0x1E500] =	vst v63  }
0x17b: {  	_ =	swait.ge [sflag:s19], $0x1080  }
0x17c: {  	(v2sf) =	vpush @!p0 v5, $0xF;
	_ =	sdelay $0x3  }
0x17d: {  	s18 =	sand.u32 $0x7F, s15;
	(v2sf) =	vpush v4, $0x7  }
0x17e: {  	v5 =	vor.u32 s18, v0  }
0x17f: {  	v61 =	vmov s28;
	v6 =	vmov s18;
	v7 =	vor.u32 s18, v1  }
0x180: {  	v62 =	vshll.u32 v61, $0x3;
	v6 =	vor.u32 $0x1000, v6  }
0x181: {  	v8 =	vand.u32 $0x7F, v61;
	v9 =	vand.u32 $0xC00, v62;
	[sflag:s19] =	ssyncset.done $0x0  }
0x182: {  	v8 =	vor.u32 v8, v9;
	s22 =	simm.s32 $0x13100;
	[sflag:s19] =	ssyncadd.s32 $0xFFFFEF80  }
0x183: {  	v9 =	vor.u32 v2, v8;
	v5 =	vld.idx.msk [tilespmem:v5+s22+$0x0], $0xffff  }
0x184: {  	v63 =	vor.u32 v3, v8;
	v7 =	vld.idx.msk [tilespmem:v7+s22+$0x0], $0xffff  }
0x185: {  	v8 =	vor.u32 $0x4000, v8;
	v6 =	vld.idx.msk [tilespmem:v6+s22+$0x0], $0xffff;
	_ =	sdelay $0x2  }
0x186: {  	[tilespmem:v9+s29+$0x0] =	vst.idx.msk $0xffff, v5;
	s18 =	spop @!p0 (v2sf)  }
0x187: {  	[tilespmem:v63+s29+$0x0] =	vst.idx.msk $0xffff, v7;
	s18 =	sand.u32 @!p0 $0xFFFFF80, s18  }
0x188: {  	s22 =	simm.s32 @!p0 $0x13100;
	[tilespmem:v8+s29+$0x0] =	vst.idx.msk $0x1, v6;
	s18 =	sadd.s32 @!p0 s0, s18  }
0x189: {  	[tilespmem:s22], [sflag:$0x8] =	stream.strided.gather @!p0 [hbm4b:s18+s2], $0x1000, s14, s2, $0x38;
	[tilespmem:$0x1E500] =	vst v63  }
0x18a: {  	s22 =	spop (v2sf)  }
0x18b: {  	s2 =	sand.u32 $0x7F, s22  }
0x18c: {  	s14 =	sadd.s32 @!p0 $0x3D0A00, s18;
	s18 =	simm.s32 @!p0 $0x14100;
	v5 =	vor.u32 s2, v0  }
0x18d: {  	[tilespmem:s18], [sflag:$0x8] =	stream.linear.gather @!p0 [hbm4b:s14+s30], $0x80, $0x38;
	v6 =	vmov s2;
	v7 =	vor.u32 s2, v1;
	[tilespmem:$0x1E500] =	vst v63  }
0x18e: {  	_ =	swait.ge [sflag:s21], $0x1080;
	v6 =	vor.u32 $0x1000, v6  }
0x18f: {  	[sflag:s21] =	ssyncset.done $0x0  }
0x190: {  	[sflag:s21] =	ssyncadd.s32 $0xFFFFEF80  }
0x191: {  	v5 =	vld.idx.msk [tilespmem:v5+s16+$0x0], $0xffff  }
0x192: {  	v7 =	vld.idx.msk [tilespmem:v7+s16+$0x0], $0xffff  }
0x193: {  	s26 =	simm.s32 $0xA500;
	v6 =	vld.idx.msk [tilespmem:v6+s16+$0x0], $0xffff  }
.Ltmp2:
0x194: {  	s31 =	simm.s32 $0x14500;
	s24 =	simm.s32 $0xB900;
	(pc) =	sbr.rel @p0 .LBB2_4-.Ltmp2, $4  }
0x195: {  	s3 =	simm.s32 $0x15900;
	s6 =	simm.s32 $0xCD00;
	s7 =	simm.s32 $0x16D00  }
0x196: {  	s8 =	simm.s32 $0xE100;
	s20 =	simm.s32 $0x19500;
	s9 =	simm.s32 $0x18100;
	[tilespmem:v9+s5+$0x0] =	vst.idx.msk $0xffff, v5  }
0x197: {  	s10 =	simm.s32 $0xF500;
	s11 =	simm.s32 $0x10900;
	s12 =	simm.s32 $0x1A900;
	[tilespmem:v63+s5+$0x0] =	vst.idx.msk $0xffff, v7  }
0x198: {  	s4 =	simm.s32 $0x11D00;
	s13 =	simm.s32 $0x1BD00;
	s15 =	simm.s32 $0x13100;
	[tilespmem:v8+s5+$0x0] =	vst.idx.msk $0x1, v6  }
0x199: {  	(v2sf) =	vpush v4, $0xF;
	_ =	sdelay $0xe  }
0x19a: {  	s14 =	simm.s32 $0x400;
	s18 =	simm.s32 $0x7A1400;
	s2 =	spop (v2sf)  }
.Ltmp3:
0x19b: {  	s31 =	simm.s32 $0x0;
	s2 =	sand.u32 $0xFFFFF80, s2;
	(pc) =	sbr.rel .LBB2_2-.Ltmp3, $4  }
0x19c: {  	s3 =	simm.s32 $0x1E100;
	s28 =	sadd.s32 $0x8, s28;
	s2 =	sadd.s32 s1, s2  }
0x19d: {  	[tilespmem:s16], [sflag:$0x10] =	stream.strided.gather [hbm4b:s2+s14], $0x1000, s18, s14, $0x38;
	[tilespmem:$0x1E500] =	vst v63  }
0x19e: {  	s25 =	sadd.s32 $0x8, s25;
	s23 =	sadd.s32 $0x8, s23;
	s2 =	sadd.s32 $0x3D0A00, s2  }
0x19f: {  	[tilespmem:s3], [sflag:$0x10] =	stream.linear.gather [hbm4b:s2+s31], $0x80, $0x38;
	[tilespmem:$0x1E500] =	vst v63  }
.LBB2_5:
0x1a0: {  	_ =	sfence.sel $0x180000  }
0x1a1: {  	[bflag:$0x0] =	sbarrier.arrive $0xFFFF  }
0x1a2: {  	_ =	strace $0x90000047  }
0x1a3: {  	s0 =	stileid.u32;
	[bflag:$0x2] =	sbarrier.arrive $0xFFFF  }
0x1a4: {  	p0 =	sne.s32 s0, $0x0;
	s0 =	rddreg [dreg:$0x6]  }
0x1a5: {  	s0 =	sadd.s32 @!p0 $0x100000, s0  }
0x1a6: {  	[sflag:s0] =	ssyncadd.tile.s32 @!p0 $0x1;
	_ =	shalt  }
.Lfunc_end2:
_tile_overlayer_lowered:
.L_overlay_start_2:
0x1a7: {  	(tag) =	ssettag $0x2  }
0x1a8: {  	s0 =	rddreg [dreg:$0x0];
	s2 =	stileid.u32  }
0x1a9: {  	s1 =	rddreg [dreg:$0x1];
	p0 =	sne.s32 s2, $0x0  }
0x1aa: {  	s3 =	rddreg [dreg:$0x2];
	[bflag:$0x3] =	sbarrier.arrive $0xFFFF;
	s2 =	simm.s32 @!p0 $0x1C11  }
0x1ab: {  	[timem:s3], [sflag:s2] =	dma.local @!p0 [hbm:s0], s1  }
0x1ac: {  	s0 =	simm.s32 @!p0 $0x11  }
0x1ad: {  	_ =	swait.ge @!p0 [sflag:s0], s1  }
0x1ae: {  	s1 =	ssub.s32 @!p0 $0x0, s1;
	[sflag:s0] =	ssyncset.done @!p0 $0x0  }
0x1af: {  	[sflag:s0] =	ssyncadd.s32 @!p0 s1  }
0x1b0: {  	[bflag:$0x3] =	sbarrier.arrive $0xFFFF  }
0x1b1: {  	_ =	shalt  }

</sc_bundles>
